<compile_context>
chip_gen: v7x
topology: tpu7x:2x2x1
jax: 0.10.2.dev20260603
libtpu: 0.0.44.dev20260713+nightly
codegen_flags: <defaults>
</compile_context>

<pallas_src>
import functools

import jax
import jax.numpy as jnp
from jax import lax
from jax.experimental import pallas as pl
from jax.experimental.pallas import tpu as pltpu
from jax.experimental.pallas import tpu_sc as plsc

F = 26
CHUNK = 128
N_PIECES = 16


def _piece_bounds(V):
    bounds = [(V * i // N_PIECES) & ~7 for i in range(N_PIECES)] + [V]
    return bounds


def _build_sc_call(B, V):
    info = plsc.get_sparse_core_info()
    NC, NS = info.num_cores, info.num_subcores
    NW = NC * NS
    b_per_w = B // NW
    idx_per_w = b_per_w * F
    n_chunks = idx_per_w // CHUNK
    bounds = _piece_bounds(V)
    assert idx_per_w % CHUNK == 0 and b_per_w % 16 == 0

    mesh = plsc.VectorSubcoreMesh(core_axis_name="c", subcore_axis_name="s")

    @functools.partial(
        pl.kernel,
        mesh=mesh,
        compiler_params=pltpu.CompilerParams(
            use_tc_tiling_on_sc=False, needs_layout_passes=False
        ),
        out_type=jax.ShapeDtypeStruct((B,), jnp.float32),
        scratch_types=[
            pltpu.VMEM_SHARED((1, V), jnp.float32),
            pltpu.VMEM((n_chunks, CHUNK), jnp.int32),
            pltpu.VMEM((idx_per_w,), jnp.float32),
            pltpu.VMEM((16,), jnp.float32),
            pltpu.VMEM((b_per_w,), jnp.float32),
            pltpu.SemaphoreType.DMA,
        ],
    )
    def sc_kernel(x_hbm, *rest):
        piece_refs = rest[:N_PIECES]
        bias_hbm = rest[N_PIECES]
        out_hbm = rest[N_PIECES + 1]
        tab_sh, idx_v, vals_v, bias_v, out_v, sem = rest[N_PIECES + 2:]

        cc = lax.axis_index("c")
        ss = lax.axis_index("s")
        wid = ss * NC + cc

        for p in range(N_PIECES):
            @pl.when(ss == p)
            def _(p=p):
                pltpu.sync_copy(
                    piece_refs[p],
                    tab_sh.at[:, pl.ds(bounds[p], bounds[p + 1] - bounds[p])],
                )

        pltpu.sync_copy(x_hbm.at[wid], idx_v)
        pltpu.sync_copy(bias_hbm, bias_v)

        plsc.subcore_barrier()

        tab_flat = tab_sh.at[0]

        def start_chunks(q, carry):
            for u in range(4):
                j = q * 4 + u
                pltpu.make_async_copy(
                    tab_flat.at[idx_v.at[j]],
                    vals_v.at[pl.ds(j * CHUNK, CHUNK)],
                    sem,
                ).start()
            return carry

        lax.fori_loop(0, n_chunks // 4, start_chunks, 0)

        pltpu.make_async_copy(
            tab_flat.at[pl.ds(0, idx_per_w)], vals_v, sem
        ).wait()

        bias_vec = bias_v[...]

        def row_block(jb, carry):
            base = jb * 16
            acc = bias_vec
            for f in range(F):
                acc = acc + vals_v[pl.ds(f * b_per_w + base, 16)]
            out_v[pl.ds(base, 16)] = acc
            return carry

        lax.fori_loop(0, b_per_w // 16, row_block, 0)

        pltpu.sync_copy(out_v, out_hbm.at[pl.ds(wid * b_per_w, b_per_w)])

    return sc_kernel, NW


def kernel(X, table, bias):
    B, f = X.shape
    V = table.shape[0]
    assert f == F
    sc_call, NW = _build_sc_call(B, V)
    b_per_w = B // NW
    x_blocks = (
        X.astype(jnp.int32)
        .reshape(NW, b_per_w, F)
        .transpose(0, 2, 1)
        .reshape(NW, b_per_w * F // CHUNK, CHUNK)
    )
    bounds = _piece_bounds(V)
    tf = table.astype(jnp.float32)
    pieces = [
        tf[bounds[i]:bounds[i + 1], 0].reshape(1, bounds[i + 1] - bounds[i])
        for i in range(N_PIECES)
    ]
    bias16 = jnp.broadcast_to(bias.astype(jnp.float32), (16,))
    y = sc_call(x_blocks, *pieces, bias16)
    return y.reshape(B, 1)

# --- scband reference (transcript-rebuilt; emitter-appended) ---
"""Pipeline reference for scband-linear-layer-67508295958940 (READ-ONLY COPY).

The authoritative reference and input builder live on the scoring server;
editing this copy changes nothing except your own understanding.
"""

import jax, jax.numpy as jnp
import numpy as np

B = 16384
F = 26
VOCAB = 1000000

def setup_inputs(seed: int = 0) -> dict:
    key = jax.random.key(seed)
    k1, k2 = jax.random.split(key, 2)
    X = jax.random.randint(k1, (B, F), 0, VOCAB)
    table = jax.random.normal(k2, (VOCAB, 1), dtype=jnp.float32) * 0.01
    bias = jnp.zeros((1,), dtype=jnp.float32)
    return {"X": X, "table": table, "bias": bias}

def reference(X, table, bias):
    # EmbeddingDict lookup with embedding_size=1: [B, F, 1]
    emb = jnp.take(table, X, axis=0)
    # sum over field dim (dim=1) -> [B, 1]
    y_pred = emb.sum(axis=1)
    # add scalar bias parameter
    y_pred = y_pred + bias
    return y_pred

if __name__ == "__main__":
    import jax
    _d = setup_inputs()
    print(jax.jit(kernel)(*tuple(_d.values())))

</pallas_src>

<mosaic_0001>
#map = affine_map<(d0, d1) -> (0, 0, 0)>
#map1 = affine_map<(d0, d1) -> (0, 0)>
#map2 = affine_map<(d0, d1) -> (0)>
module attributes {stable_mosaic.version = 14 : i64} {
  func.func @sc_kernel(%arg0: i32, %arg1: i32, %arg2: memref<32x104x128xi32, #tpu.memory_space<hbm>>, %arg3: memref<1x62496xf32, #tpu.memory_space<hbm>>, %arg4: memref<1x62504xf32, #tpu.memory_space<hbm>>, %arg5: memref<1x62496xf32, #tpu.memory_space<hbm>>, %arg6: memref<1x62504xf32, #tpu.memory_space<hbm>>, %arg7: memref<1x62496xf32, #tpu.memory_space<hbm>>, %arg8: memref<1x62504xf32, #tpu.memory_space<hbm>>, %arg9: memref<1x62496xf32, #tpu.memory_space<hbm>>, %arg10: memref<1x62504xf32, #tpu.memory_space<hbm>>, %arg11: memref<1x62496xf32, #tpu.memory_space<hbm>>, %arg12: memref<1x62504xf32, #tpu.memory_space<hbm>>, %arg13: memref<1x62496xf32, #tpu.memory_space<hbm>>, %arg14: memref<1x62504xf32, #tpu.memory_space<hbm>>, %arg15: memref<1x62496xf32, #tpu.memory_space<hbm>>, %arg16: memref<1x62504xf32, #tpu.memory_space<hbm>>, %arg17: memref<1x62496xf32, #tpu.memory_space<hbm>>, %arg18: memref<1x62504xf32, #tpu.memory_space<hbm>>, %arg19: memref<16xf32, #tpu.memory_space<hbm>>, %arg20: memref<16384xf32, #tpu.memory_space<hbm>>, %arg21: memref<1x1000000xf32, #tpu.memory_space<vmem_shared>>, %arg22: memref<104x128xi32, #tpu.memory_space<vmem>>, %arg23: memref<13312xf32, #tpu.memory_space<vmem>>, %arg24: memref<16xf32, #tpu.memory_space<vmem>>, %arg25: memref<512xf32, #tpu.memory_space<vmem>>, %arg26: memref<!tpu.dma_semaphore, #tpu.memory_space<semaphore_mem>>) attributes {dimension_semantics = [#tpu.dimension_semantics<core_parallel>, #tpu.dimension_semantics<subcore_parallel>], iteration_bounds = array<i64: 2, 16>, scalar_prefetch = 0 : i64, scratch_operands = 6 : i64, tpu.core_type = #tpu.core_type<sc_vector_subcore>, window_params = [{transform_indices = #map}, {transform_indices = #map1}, {transform_indices = #map1}, {transform_indices = #map1}, {transform_indices = #map1}, {transform_indices = #map1}, {transform_indices = #map1}, {transform_indices = #map1}, {transform_indices = #map1}, {transform_indices = #map1}, {transform_indices = #map1}, {transform_indices = #map1}, {transform_indices = #map1}, {transform_indices = #map1}, {transform_indices = #map1}, {transform_indices = #map1}, {transform_indices = #map1}, {transform_indices = #map2}, {transform_indices = #map2}]} {
    %mul3A = arith.constant 2 : i32
    %mul3A_0 = arith.muli %arg1, %mul3A : i32
    %add3A = arith.addi %mul3A_0, %arg0 : i32
    %eq3A = arith.constant 0 : i32
    %eq3A_1 = arith.cmpi eq, %arg1, %eq3A : i32
    %convert_element_type3A = arith.extui %eq3A_1 : i1 to i32
    %cond3A = arith.constant 0 : i32
    %cond3A_2 = arith.cmpi ne, %convert_element_type3A, %cond3A : i32
    scf.if %cond3A_2 {
      "tpu.region"() ({
        %run_scoped3A = tpu.sem_alloc : memref<!tpu.dma_semaphore, #tpu.memory_space<semaphore_mem>>
        %dma_start3A = arith.constant 0 : i32
        %dma_start3A_103 = arith.constant 0 : i32
        %dma_start3A_104 = tpu.memref_slice %arg21[%dma_start3A, %dma_start3A_103] : memref<1x1000000xf32, #tpu.memory_space<vmem_shared>> -> memref<1x62496xf32, #tpu.memory_space<vmem_shared>>
        tpu.enqueue_dma source(%arg3 : memref<1x62496xf32, #tpu.memory_space<hbm>>) target(%dma_start3A_104 : memref<1x62496xf32, #tpu.memory_space<vmem_shared>>) target_semaphore(%run_scoped3A : memref<!tpu.dma_semaphore, #tpu.memory_space<semaphore_mem>>)
        %dma_wait3A_105 = arith.constant 0 : i32
        %dma_wait3A_106 = arith.constant 0 : i32
        %dma_wait3A_107 = tpu.memref_slice %arg21[%dma_wait3A_105, %dma_wait3A_106] : memref<1x1000000xf32, #tpu.memory_space<vmem_shared>> -> memref<1x62496xf32, #tpu.memory_space<vmem_shared>>
        tpu.wait_dma2 semaphore(%run_scoped3A : memref<!tpu.dma_semaphore, #tpu.memory_space<semaphore_mem>>) src(%arg3 : memref<1x62496xf32, #tpu.memory_space<hbm>>) dst(%dma_wait3A_107 : memref<1x62496xf32, #tpu.memory_space<vmem_shared>>)
        tpu.yield
      }) : () -> ()
    } else {
    }
    %eq3A_3 = arith.constant 1 : i32
    %eq3A_4 = arith.cmpi eq, %arg1, %eq3A_3 : i32
    %convert_element_type3A_5 = arith.extui %eq3A_4 : i1 to i32
    %cond3A_6 = arith.constant 0 : i32
    %cond3A_7 = arith.cmpi ne, %convert_element_type3A_5, %cond3A_6 : i32
    scf.if %cond3A_7 {
      "tpu.region"() ({
        %run_scoped3A = tpu.sem_alloc : memref<!tpu.dma_semaphore, #tpu.memory_space<semaphore_mem>>
        %dma_start3A = arith.constant 0 : i32
        %dma_start3A_103 = arith.constant 62496 : i32
        %dma_start3A_104 = tpu.memref_slice %arg21[%dma_start3A, %dma_start3A_103] : memref<1x1000000xf32, #tpu.memory_space<vmem_shared>> -> memref<1x62504xf32, #tpu.memory_space<vmem_shared>>
        tpu.enqueue_dma source(%arg4 : memref<1x62504xf32, #tpu.memory_space<hbm>>) target(%dma_start3A_104 : memref<1x62504xf32, #tpu.memory_space<vmem_shared>>) target_semaphore(%run_scoped3A : memref<!tpu.dma_semaphore, #tpu.memory_space<semaphore_mem>>)
        %dma_wait3A_105 = arith.constant 0 : i32
        %dma_wait3A_106 = arith.constant 62496 : i32
        %dma_wait3A_107 = tpu.memref_slice %arg21[%dma_wait3A_105, %dma_wait3A_106] : memref<1x1000000xf32, #tpu.memory_space<vmem_shared>> -> memref<1x62504xf32, #tpu.memory_space<vmem_shared>>
        tpu.wait_dma2 semaphore(%run_scoped3A : memref<!tpu.dma_semaphore, #tpu.memory_space<semaphore_mem>>) src(%arg4 : memref<1x62504xf32, #tpu.memory_space<hbm>>) dst(%dma_wait3A_107 : memref<1x62504xf32, #tpu.memory_space<vmem_shared>>)
        tpu.yield
      }) : () -> ()
    } else {
    }
    %eq3A_8 = arith.constant 2 : i32
    %eq3A_9 = arith.cmpi eq, %arg1, %eq3A_8 : i32
    %convert_element_type3A_10 = arith.extui %eq3A_9 : i1 to i32
    %cond3A_11 = arith.constant 0 : i32
    %cond3A_12 = arith.cmpi ne, %convert_element_type3A_10, %cond3A_11 : i32
    scf.if %cond3A_12 {
      "tpu.region"() ({
        %run_scoped3A = tpu.sem_alloc : memref<!tpu.dma_semaphore, #tpu.memory_space<semaphore_mem>>
        %dma_start3A = arith.constant 0 : i32
        %dma_start3A_103 = arith.constant 125000 : i32
        %dma_start3A_104 = tpu.memref_slice %arg21[%dma_start3A, %dma_start3A_103] : memref<1x1000000xf32, #tpu.memory_space<vmem_shared>> -> memref<1x62496xf32, #tpu.memory_space<vmem_shared>>
        tpu.enqueue_dma source(%arg5 : memref<1x62496xf32, #tpu.memory_space<hbm>>) target(%dma_start3A_104 : memref<1x62496xf32, #tpu.memory_space<vmem_shared>>) target_semaphore(%run_scoped3A : memref<!tpu.dma_semaphore, #tpu.memory_space<semaphore_mem>>)
        %dma_wait3A_105 = arith.constant 0 : i32
        %dma_wait3A_106 = arith.constant 125000 : i32
        %dma_wait3A_107 = tpu.memref_slice %arg21[%dma_wait3A_105, %dma_wait3A_106] : memref<1x1000000xf32, #tpu.memory_space<vmem_shared>> -> memref<1x62496xf32, #tpu.memory_space<vmem_shared>>
        tpu.wait_dma2 semaphore(%run_scoped3A : memref<!tpu.dma_semaphore, #tpu.memory_space<semaphore_mem>>) src(%arg5 : memref<1x62496xf32, #tpu.memory_space<hbm>>) dst(%dma_wait3A_107 : memref<1x62496xf32, #tpu.memory_space<vmem_shared>>)
        tpu.yield
      }) : () -> ()
    } else {
    }
    %eq3A_13 = arith.constant 3 : i32
    %eq3A_14 = arith.cmpi eq, %arg1, %eq3A_13 : i32
    %convert_element_type3A_15 = arith.extui %eq3A_14 : i1 to i32
    %cond3A_16 = arith.constant 0 : i32
    %cond3A_17 = arith.cmpi ne, %convert_element_type3A_15, %cond3A_16 : i32
    scf.if %cond3A_17 {
      "tpu.region"() ({
        %run_scoped3A = tpu.sem_alloc : memref<!tpu.dma_semaphore, #tpu.memory_space<semaphore_mem>>
        %dma_start3A = arith.constant 0 : i32
        %dma_start3A_103 = arith.constant 187496 : i32
        %dma_start3A_104 = tpu.memref_slice %arg21[%dma_start3A, %dma_start3A_103] : memref<1x1000000xf32, #tpu.memory_space<vmem_shared>> -> memref<1x62504xf32, #tpu.memory_space<vmem_shared>>
        tpu.enqueue_dma source(%arg6 : memref<1x62504xf32, #tpu.memory_space<hbm>>) target(%dma_start3A_104 : memref<1x62504xf32, #tpu.memory_space<vmem_shared>>) target_semaphore(%run_scoped3A : memref<!tpu.dma_semaphore, #tpu.memory_space<semaphore_mem>>)
        %dma_wait3A_105 = arith.constant 0 : i32
        %dma_wait3A_106 = arith.constant 187496 : i32
        %dma_wait3A_107 = tpu.memref_slice %arg21[%dma_wait3A_105, %dma_wait3A_106] : memref<1x1000000xf32, #tpu.memory_space<vmem_shared>> -> memref<1x62504xf32, #tpu.memory_space<vmem_shared>>
        tpu.wait_dma2 semaphore(%run_scoped3A : memref<!tpu.dma_semaphore, #tpu.memory_space<semaphore_mem>>) src(%arg6 : memref<1x62504xf32, #tpu.memory_space<hbm>>) dst(%dma_wait3A_107 : memref<1x62504xf32, #tpu.memory_space<vmem_shared>>)
        tpu.yield
      }) : () -> ()
    } else {
    }
    %eq3A_18 = arith.constant 4 : i32
    %eq3A_19 = arith.cmpi eq, %arg1, %eq3A_18 : i32
    %convert_element_type3A_20 = arith.extui %eq3A_19 : i1 to i32
    %cond3A_21 = arith.constant 0 : i32
    %cond3A_22 = arith.cmpi ne, %convert_element_type3A_20, %cond3A_21 : i32
    scf.if %cond3A_22 {
      "tpu.region"() ({
        %run_scoped3A = tpu.sem_alloc : memref<!tpu.dma_semaphore, #tpu.memory_space<semaphore_mem>>
        %dma_start3A = arith.constant 0 : i32
        %dma_start3A_103 = arith.constant 250000 : i32
        %dma_start3A_104 = tpu.memref_slice %arg21[%dma_start3A, %dma_start3A_103] : memref<1x1000000xf32, #tpu.memory_space<vmem_shared>> -> memref<1x62496xf32, #tpu.memory_space<vmem_shared>>
        tpu.enqueue_dma source(%arg7 : memref<1x62496xf32, #tpu.memory_space<hbm>>) target(%dma_start3A_104 : memref<1x62496xf32, #tpu.memory_space<vmem_shared>>) target_semaphore(%run_scoped3A : memref<!tpu.dma_semaphore, #tpu.memory_space<semaphore_mem>>)
        %dma_wait3A_105 = arith.constant 0 : i32
        %dma_wait3A_106 = arith.constant 250000 : i32
        %dma_wait3A_107 = tpu.memref_slice %arg21[%dma_wait3A_105, %dma_wait3A_106] : memref<1x1000000xf32, #tpu.memory_space<vmem_shared>> -> memref<1x62496xf32, #tpu.memory_space<vmem_shared>>
        tpu.wait_dma2 semaphore(%run_scoped3A : memref<!tpu.dma_semaphore, #tpu.memory_space<semaphore_mem>>) src(%arg7 : memref<1x62496xf32, #tpu.memory_space<hbm>>) dst(%dma_wait3A_107 : memref<1x62496xf32, #tpu.memory_space<vmem_shared>>)
        tpu.yield
      }) : () -> ()
    } else {
    }
    %eq3A_23 = arith.constant 5 : i32
    %eq3A_24 = arith.cmpi eq, %arg1, %eq3A_23 : i32
    %convert_element_type3A_25 = arith.extui %eq3A_24 : i1 to i32
    %cond3A_26 = arith.constant 0 : i32
    %cond3A_27 = arith.cmpi ne, %convert_element_type3A_25, %cond3A_26 : i32
    scf.if %cond3A_27 {
      "tpu.region"() ({
        %run_scoped3A = tpu.sem_alloc : memref<!tpu.dma_semaphore, #tpu.memory_space<semaphore_mem>>
        %dma_start3A = arith.constant 0 : i32
        %dma_start3A_103 = arith.constant 312496 : i32
        %dma_start3A_104 = tpu.memref_slice %arg21[%dma_start3A, %dma_start3A_103] : memref<1x1000000xf32, #tpu.memory_space<vmem_shared>> -> memref<1x62504xf32, #tpu.memory_space<vmem_shared>>
        tpu.enqueue_dma source(%arg8 : memref<1x62504xf32, #tpu.memory_space<hbm>>) target(%dma_start3A_104 : memref<1x62504xf32, #tpu.memory_space<vmem_shared>>) target_semaphore(%run_scoped3A : memref<!tpu.dma_semaphore, #tpu.memory_space<semaphore_mem>>)
        %dma_wait3A_105 = arith.constant 0 : i32
        %dma_wait3A_106 = arith.constant 312496 : i32
        %dma_wait3A_107 = tpu.memref_slice %arg21[%dma_wait3A_105, %dma_wait3A_106] : memref<1x1000000xf32, #tpu.memory_space<vmem_shared>> -> memref<1x62504xf32, #tpu.memory_space<vmem_shared>>
        tpu.wait_dma2 semaphore(%run_scoped3A : memref<!tpu.dma_semaphore, #tpu.memory_space<semaphore_mem>>) src(%arg8 : memref<1x62504xf32, #tpu.memory_space<hbm>>) dst(%dma_wait3A_107 : memref<1x62504xf32, #tpu.memory_space<vmem_shared>>)
        tpu.yield
      }) : () -> ()
    } else {
    }
    %eq3A_28 = arith.constant 6 : i32
    %eq3A_29 = arith.cmpi eq, %arg1, %eq3A_28 : i32
    %convert_element_type3A_30 = arith.extui %eq3A_29 : i1 to i32
    %cond3A_31 = arith.constant 0 : i32
    %cond3A_32 = arith.cmpi ne, %convert_element_type3A_30, %cond3A_31 : i32
    scf.if %cond3A_32 {
      "tpu.region"() ({
        %run_scoped3A = tpu.sem_alloc : memref<!tpu.dma_semaphore, #tpu.memory_space<semaphore_mem>>
        %dma_start3A = arith.constant 0 : i32
        %dma_start3A_103 = arith.constant 375000 : i32
        %dma_start3A_104 = tpu.memref_slice %arg21[%dma_start3A, %dma_start3A_103] : memref<1x1000000xf32, #tpu.memory_space<vmem_shared>> -> memref<1x62496xf32, #tpu.memory_space<vmem_shared>>
        tpu.enqueue_dma source(%arg9 : memref<1x62496xf32, #tpu.memory_space<hbm>>) target(%dma_start3A_104 : memref<1x62496xf32, #tpu.memory_space<vmem_shared>>) target_semaphore(%run_scoped3A : memref<!tpu.dma_semaphore, #tpu.memory_space<semaphore_mem>>)
        %dma_wait3A_105 = arith.constant 0 : i32
        %dma_wait3A_106 = arith.constant 375000 : i32
        %dma_wait3A_107 = tpu.memref_slice %arg21[%dma_wait3A_105, %dma_wait3A_106] : memref<1x1000000xf32, #tpu.memory_space<vmem_shared>> -> memref<1x62496xf32, #tpu.memory_space<vmem_shared>>
        tpu.wait_dma2 semaphore(%run_scoped3A : memref<!tpu.dma_semaphore, #tpu.memory_space<semaphore_mem>>) src(%arg9 : memref<1x62496xf32, #tpu.memory_space<hbm>>) dst(%dma_wait3A_107 : memref<1x62496xf32, #tpu.memory_space<vmem_shared>>)
        tpu.yield
      }) : () -> ()
    } else {
    }
    %eq3A_33 = arith.constant 7 : i32
    %eq3A_34 = arith.cmpi eq, %arg1, %eq3A_33 : i32
    %convert_element_type3A_35 = arith.extui %eq3A_34 : i1 to i32
    %cond3A_36 = arith.constant 0 : i32
    %cond3A_37 = arith.cmpi ne, %convert_element_type3A_35, %cond3A_36 : i32
    scf.if %cond3A_37 {
      "tpu.region"() ({
        %run_scoped3A = tpu.sem_alloc : memref<!tpu.dma_semaphore, #tpu.memory_space<semaphore_mem>>
        %dma_start3A = arith.constant 0 : i32
        %dma_start3A_103 = arith.constant 437496 : i32
        %dma_start3A_104 = tpu.memref_slice %arg21[%dma_start3A, %dma_start3A_103] : memref<1x1000000xf32, #tpu.memory_space<vmem_shared>> -> memref<1x62504xf32, #tpu.memory_space<vmem_shared>>
        tpu.enqueue_dma source(%arg10 : memref<1x62504xf32, #tpu.memory_space<hbm>>) target(%dma_start3A_104 : memref<1x62504xf32, #tpu.memory_space<vmem_shared>>) target_semaphore(%run_scoped3A : memref<!tpu.dma_semaphore, #tpu.memory_space<semaphore_mem>>)
        %dma_wait3A_105 = arith.constant 0 : i32
        %dma_wait3A_106 = arith.constant 437496 : i32
        %dma_wait3A_107 = tpu.memref_slice %arg21[%dma_wait3A_105, %dma_wait3A_106] : memref<1x1000000xf32, #tpu.memory_space<vmem_shared>> -> memref<1x62504xf32, #tpu.memory_space<vmem_shared>>
        tpu.wait_dma2 semaphore(%run_scoped3A : memref<!tpu.dma_semaphore, #tpu.memory_space<semaphore_mem>>) src(%arg10 : memref<1x62504xf32, #tpu.memory_space<hbm>>) dst(%dma_wait3A_107 : memref<1x62504xf32, #tpu.memory_space<vmem_shared>>)
        tpu.yield
      }) : () -> ()
    } else {
    }
    %eq3A_38 = arith.constant 8 : i32
    %eq3A_39 = arith.cmpi eq, %arg1, %eq3A_38 : i32
    %convert_element_type3A_40 = arith.extui %eq3A_39 : i1 to i32
    %cond3A_41 = arith.constant 0 : i32
    %cond3A_42 = arith.cmpi ne, %convert_element_type3A_40, %cond3A_41 : i32
    scf.if %cond3A_42 {
      "tpu.region"() ({
        %run_scoped3A = tpu.sem_alloc : memref<!tpu.dma_semaphore, #tpu.memory_space<semaphore_mem>>
        %dma_start3A = arith.constant 0 : i32
        %dma_start3A_103 = arith.constant 500000 : i32
        %dma_start3A_104 = tpu.memref_slice %arg21[%dma_start3A, %dma_start3A_103] : memref<1x1000000xf32, #tpu.memory_space<vmem_shared>> -> memref<1x62496xf32, #tpu.memory_space<vmem_shared>>
        tpu.enqueue_dma source(%arg11 : memref<1x62496xf32, #tpu.memory_space<hbm>>) target(%dma_start3A_104 : memref<1x62496xf32, #tpu.memory_space<vmem_shared>>) target_semaphore(%run_scoped3A : memref<!tpu.dma_semaphore, #tpu.memory_space<semaphore_mem>>)
        %dma_wait3A_105 = arith.constant 0 : i32
        %dma_wait3A_106 = arith.constant 500000 : i32
        %dma_wait3A_107 = tpu.memref_slice %arg21[%dma_wait3A_105, %dma_wait3A_106] : memref<1x1000000xf32, #tpu.memory_space<vmem_shared>> -> memref<1x62496xf32, #tpu.memory_space<vmem_shared>>
        tpu.wait_dma2 semaphore(%run_scoped3A : memref<!tpu.dma_semaphore, #tpu.memory_space<semaphore_mem>>) src(%arg11 : memref<1x62496xf32, #tpu.memory_space<hbm>>) dst(%dma_wait3A_107 : memref<1x62496xf32, #tpu.memory_space<vmem_shared>>)
        tpu.yield
      }) : () -> ()
    } else {
    }
    %eq3A_43 = arith.constant 9 : i32
    %eq3A_44 = arith.cmpi eq, %arg1, %eq3A_43 : i32
    %convert_element_type3A_45 = arith.extui %eq3A_44 : i1 to i32
    %cond3A_46 = arith.constant 0 : i32
    %cond3A_47 = arith.cmpi ne, %convert_element_type3A_45, %cond3A_46 : i32
    scf.if %cond3A_47 {
      "tpu.region"() ({
        %run_scoped3A = tpu.sem_alloc : memref<!tpu.dma_semaphore, #tpu.memory_space<semaphore_mem>>
        %dma_start3A = arith.constant 0 : i32
        %dma_start3A_103 = arith.constant 562496 : i32
        %dma_start3A_104 = tpu.memref_slice %arg21[%dma_start3A, %dma_start3A_103] : memref<1x1000000xf32, #tpu.memory_space<vmem_shared>> -> memref<1x62504xf32, #tpu.memory_space<vmem_shared>>
        tpu.enqueue_dma source(%arg12 : memref<1x62504xf32, #tpu.memory_space<hbm>>) target(%dma_start3A_104 : memref<1x62504xf32, #tpu.memory_space<vmem_shared>>) target_semaphore(%run_scoped3A : memref<!tpu.dma_semaphore, #tpu.memory_space<semaphore_mem>>)
        %dma_wait3A_105 = arith.constant 0 : i32
        %dma_wait3A_106 = arith.constant 562496 : i32
        %dma_wait3A_107 = tpu.memref_slice %arg21[%dma_wait3A_105, %dma_wait3A_106] : memref<1x1000000xf32, #tpu.memory_space<vmem_shared>> -> memref<1x62504xf32, #tpu.memory_space<vmem_shared>>
        tpu.wait_dma2 semaphore(%run_scoped3A : memref<!tpu.dma_semaphore, #tpu.memory_space<semaphore_mem>>) src(%arg12 : memref<1x62504xf32, #tpu.memory_space<hbm>>) dst(%dma_wait3A_107 : memref<1x62504xf32, #tpu.memory_space<vmem_shared>>)
        tpu.yield
      }) : () -> ()
    } else {
    }
    %eq3A_48 = arith.constant 10 : i32
    %eq3A_49 = arith.cmpi eq, %arg1, %eq3A_48 : i32
    %convert_element_type3A_50 = arith.extui %eq3A_49 : i1 to i32
    %cond3A_51 = arith.constant 0 : i32
    %cond3A_52 = arith.cmpi ne, %convert_element_type3A_50, %cond3A_51 : i32
    scf.if %cond3A_52 {
      "tpu.region"() ({
        %run_scoped3A = tpu.sem_alloc : memref<!tpu.dma_semaphore, #tpu.memory_space<semaphore_mem>>
        %dma_start3A = arith.constant 0 : i32
        %dma_start3A_103 = arith.constant 625000 : i32
        %dma_start3A_104 = tpu.memref_slice %arg21[%dma_start3A, %dma_start3A_103] : memref<1x1000000xf32, #tpu.memory_space<vmem_shared>> -> memref<1x62496xf32, #tpu.memory_space<vmem_shared>>
        tpu.enqueue_dma source(%arg13 : memref<1x62496xf32, #tpu.memory_space<hbm>>) target(%dma_start3A_104 : memref<1x62496xf32, #tpu.memory_space<vmem_shared>>) target_semaphore(%run_scoped3A : memref<!tpu.dma_semaphore, #tpu.memory_space<semaphore_mem>>)
        %dma_wait3A_105 = arith.constant 0 : i32
        %dma_wait3A_106 = arith.constant 625000 : i32
        %dma_wait3A_107 = tpu.memref_slice %arg21[%dma_wait3A_105, %dma_wait3A_106] : memref<1x1000000xf32, #tpu.memory_space<vmem_shared>> -> memref<1x62496xf32, #tpu.memory_space<vmem_shared>>
        tpu.wait_dma2 semaphore(%run_scoped3A : memref<!tpu.dma_semaphore, #tpu.memory_space<semaphore_mem>>) src(%arg13 : memref<1x62496xf32, #tpu.memory_space<hbm>>) dst(%dma_wait3A_107 : memref<1x62496xf32, #tpu.memory_space<vmem_shared>>)
        tpu.yield
      }) : () -> ()
    } else {
    }
    %eq3A_53 = arith.constant 11 : i32
    %eq3A_54 = arith.cmpi eq, %arg1, %eq3A_53 : i32
    %convert_element_type3A_55 = arith.extui %eq3A_54 : i1 to i32
    %cond3A_56 = arith.constant 0 : i32
    %cond3A_57 = arith.cmpi ne, %convert_element_type3A_55, %cond3A_56 : i32
    scf.if %cond3A_57 {
      "tpu.region"() ({
        %run_scoped3A = tpu.sem_alloc : memref<!tpu.dma_semaphore, #tpu.memory_space<semaphore_mem>>
        %dma_start3A = arith.constant 0 : i32
        %dma_start3A_103 = arith.constant 687496 : i32
        %dma_start3A_104 = tpu.memref_slice %arg21[%dma_start3A, %dma_start3A_103] : memref<1x1000000xf32, #tpu.memory_space<vmem_shared>> -> memref<1x62504xf32, #tpu.memory_space<vmem_shared>>
        tpu.enqueue_dma source(%arg14 : memref<1x62504xf32, #tpu.memory_space<hbm>>) target(%dma_start3A_104 : memref<1x62504xf32, #tpu.memory_space<vmem_shared>>) target_semaphore(%run_scoped3A : memref<!tpu.dma_semaphore, #tpu.memory_space<semaphore_mem>>)
        %dma_wait3A_105 = arith.constant 0 : i32
        %dma_wait3A_106 = arith.constant 687496 : i32
        %dma_wait3A_107 = tpu.memref_slice %arg21[%dma_wait3A_105, %dma_wait3A_106] : memref<1x1000000xf32, #tpu.memory_space<vmem_shared>> -> memref<1x62504xf32, #tpu.memory_space<vmem_shared>>
        tpu.wait_dma2 semaphore(%run_scoped3A : memref<!tpu.dma_semaphore, #tpu.memory_space<semaphore_mem>>) src(%arg14 : memref<1x62504xf32, #tpu.memory_space<hbm>>) dst(%dma_wait3A_107 : memref<1x62504xf32, #tpu.memory_space<vmem_shared>>)
        tpu.yield
      }) : () -> ()
    } else {
    }
    %eq3A_58 = arith.constant 12 : i32
    %eq3A_59 = arith.cmpi eq, %arg1, %eq3A_58 : i32
    %convert_element_type3A_60 = arith.extui %eq3A_59 : i1 to i32
    %cond3A_61 = arith.constant 0 : i32
    %cond3A_62 = arith.cmpi ne, %convert_element_type3A_60, %cond3A_61 : i32
    scf.if %cond3A_62 {
      "tpu.region"() ({
        %run_scoped3A = tpu.sem_alloc : memref<!tpu.dma_semaphore, #tpu.memory_space<semaphore_mem>>
        %dma_start3A = arith.constant 0 : i32
        %dma_start3A_103 = arith.constant 750000 : i32
        %dma_start3A_104 = tpu.memref_slice %arg21[%dma_start3A, %dma_start3A_103] : memref<1x1000000xf32, #tpu.memory_space<vmem_shared>> -> memref<1x62496xf32, #tpu.memory_space<vmem_shared>>
        tpu.enqueue_dma source(%arg15 : memref<1x62496xf32, #tpu.memory_space<hbm>>) target(%dma_start3A_104 : memref<1x62496xf32, #tpu.memory_space<vmem_shared>>) target_semaphore(%run_scoped3A : memref<!tpu.dma_semaphore, #tpu.memory_space<semaphore_mem>>)
        %dma_wait3A_105 = arith.constant 0 : i32
        %dma_wait3A_106 = arith.constant 750000 : i32
        %dma_wait3A_107 = tpu.memref_slice %arg21[%dma_wait3A_105, %dma_wait3A_106] : memref<1x1000000xf32, #tpu.memory_space<vmem_shared>> -> memref<1x62496xf32, #tpu.memory_space<vmem_shared>>
        tpu.wait_dma2 semaphore(%run_scoped3A : memref<!tpu.dma_semaphore, #tpu.memory_space<semaphore_mem>>) src(%arg15 : memref<1x62496xf32, #tpu.memory_space<hbm>>) dst(%dma_wait3A_107 : memref<1x62496xf32, #tpu.memory_space<vmem_shared>>)
        tpu.yield
      }) : () -> ()
    } else {
    }
    %eq3A_63 = arith.constant 13 : i32
    %eq3A_64 = arith.cmpi eq, %arg1, %eq3A_63 : i32
    %convert_element_type3A_65 = arith.extui %eq3A_64 : i1 to i32
    %cond3A_66 = arith.constant 0 : i32
    %cond3A_67 = arith.cmpi ne, %convert_element_type3A_65, %cond3A_66 : i32
    scf.if %cond3A_67 {
      "tpu.region"() ({
        %run_scoped3A = tpu.sem_alloc : memref<!tpu.dma_semaphore, #tpu.memory_space<semaphore_mem>>
        %dma_start3A = arith.constant 0 : i32
        %dma_start3A_103 = arith.constant 812496 : i32
        %dma_start3A_104 = tpu.memref_slice %arg21[%dma_start3A, %dma_start3A_103] : memref<1x1000000xf32, #tpu.memory_space<vmem_shared>> -> memref<1x62504xf32, #tpu.memory_space<vmem_shared>>
        tpu.enqueue_dma source(%arg16 : memref<1x62504xf32, #tpu.memory_space<hbm>>) target(%dma_start3A_104 : memref<1x62504xf32, #tpu.memory_space<vmem_shared>>) target_semaphore(%run_scoped3A : memref<!tpu.dma_semaphore, #tpu.memory_space<semaphore_mem>>)
        %dma_wait3A_105 = arith.constant 0 : i32
        %dma_wait3A_106 = arith.constant 812496 : i32
        %dma_wait3A_107 = tpu.memref_slice %arg21[%dma_wait3A_105, %dma_wait3A_106] : memref<1x1000000xf32, #tpu.memory_space<vmem_shared>> -> memref<1x62504xf32, #tpu.memory_space<vmem_shared>>
        tpu.wait_dma2 semaphore(%run_scoped3A : memref<!tpu.dma_semaphore, #tpu.memory_space<semaphore_mem>>) src(%arg16 : memref<1x62504xf32, #tpu.memory_space<hbm>>) dst(%dma_wait3A_107 : memref<1x62504xf32, #tpu.memory_space<vmem_shared>>)
        tpu.yield
      }) : () -> ()
    } else {
    }
    %eq3A_68 = arith.constant 14 : i32
    %eq3A_69 = arith.cmpi eq, %arg1, %eq3A_68 : i32
    %convert_element_type3A_70 = arith.extui %eq3A_69 : i1 to i32
    %cond3A_71 = arith.constant 0 : i32
    %cond3A_72 = arith.cmpi ne, %convert_element_type3A_70, %cond3A_71 : i32
    scf.if %cond3A_72 {
      "tpu.region"() ({
        %run_scoped3A = tpu.sem_alloc : memref<!tpu.dma_semaphore, #tpu.memory_space<semaphore_mem>>
        %dma_start3A = arith.constant 0 : i32
        %dma_start3A_103 = arith.constant 875000 : i32
        %dma_start3A_104 = tpu.memref_slice %arg21[%dma_start3A, %dma_start3A_103] : memref<1x1000000xf32, #tpu.memory_space<vmem_shared>> -> memref<1x62496xf32, #tpu.memory_space<vmem_shared>>
        tpu.enqueue_dma source(%arg17 : memref<1x62496xf32, #tpu.memory_space<hbm>>) target(%dma_start3A_104 : memref<1x62496xf32, #tpu.memory_space<vmem_shared>>) target_semaphore(%run_scoped3A : memref<!tpu.dma_semaphore, #tpu.memory_space<semaphore_mem>>)
        %dma_wait3A_105 = arith.constant 0 : i32
        %dma_wait3A_106 = arith.constant 875000 : i32
        %dma_wait3A_107 = tpu.memref_slice %arg21[%dma_wait3A_105, %dma_wait3A_106] : memref<1x1000000xf32, #tpu.memory_space<vmem_shared>> -> memref<1x62496xf32, #tpu.memory_space<vmem_shared>>
        tpu.wait_dma2 semaphore(%run_scoped3A : memref<!tpu.dma_semaphore, #tpu.memory_space<semaphore_mem>>) src(%arg17 : memref<1x62496xf32, #tpu.memory_space<hbm>>) dst(%dma_wait3A_107 : memref<1x62496xf32, #tpu.memory_space<vmem_shared>>)
        tpu.yield
      }) : () -> ()
    } else {
    }
    %eq3A_73 = arith.constant 15 : i32
    %eq3A_74 = arith.cmpi eq, %arg1, %eq3A_73 : i32
    %convert_element_type3A_75 = arith.extui %eq3A_74 : i1 to i32
    %cond3A_76 = arith.constant 0 : i32
    %cond3A_77 = arith.cmpi ne, %convert_element_type3A_75, %cond3A_76 : i32
    scf.if %cond3A_77 {
      "tpu.region"() ({
        %run_scoped3A = tpu.sem_alloc : memref<!tpu.dma_semaphore, #tpu.memory_space<semaphore_mem>>
        %dma_start3A = arith.constant 0 : i32
        %dma_start3A_103 = arith.constant 937496 : i32
        %dma_start3A_104 = tpu.memref_slice %arg21[%dma_start3A, %dma_start3A_103] : memref<1x1000000xf32, #tpu.memory_space<vmem_shared>> -> memref<1x62504xf32, #tpu.memory_space<vmem_shared>>
        tpu.enqueue_dma source(%arg18 : memref<1x62504xf32, #tpu.memory_space<hbm>>) target(%dma_start3A_104 : memref<1x62504xf32, #tpu.memory_space<vmem_shared>>) target_semaphore(%run_scoped3A : memref<!tpu.dma_semaphore, #tpu.memory_space<semaphore_mem>>)
        %dma_wait3A_105 = arith.constant 0 : i32
        %dma_wait3A_106 = arith.constant 937496 : i32
        %dma_wait3A_107 = tpu.memref_slice %arg21[%dma_wait3A_105, %dma_wait3A_106] : memref<1x1000000xf32, #tpu.memory_space<vmem_shared>> -> memref<1x62504xf32, #tpu.memory_space<vmem_shared>>
        tpu.wait_dma2 semaphore(%run_scoped3A : memref<!tpu.dma_semaphore, #tpu.memory_space<semaphore_mem>>) src(%arg18 : memref<1x62504xf32, #tpu.memory_space<hbm>>) dst(%dma_wait3A_107 : memref<1x62504xf32, #tpu.memory_space<vmem_shared>>)
        tpu.yield
      }) : () -> ()
    } else {
    }
    "tpu.region"() ({
      %run_scoped3A = tpu.sem_alloc : memref<!tpu.dma_semaphore, #tpu.memory_space<semaphore_mem>>
      %dma_start3A = arith.constant 0 : i32
      %dma_start3A_103 = arith.constant 0 : i32
      %dma_start3A_104 = tpu.memref_slice %arg2[%add3A, %dma_start3A, %dma_start3A_103] : memref<32x104x128xi32, #tpu.memory_space<hbm>> -> memref<1x104x128xi32, #tpu.memory_space<hbm>>
      %dma_start3A_105 = tpu.memref_squeeze %dma_start3A_104 : memref<1x104x128xi32, #tpu.memory_space<hbm>> -> memref<104x128xi32, #tpu.memory_space<hbm>>
      %dma_start3A_106 = arith.constant 0 : i32
      %dma_start3A_107 = arith.constant 0 : i32
      %dma_start3A_108 = tpu.memref_slice %arg2[%add3A, %dma_start3A_106, %dma_start3A_107] : memref<32x104x128xi32, #tpu.memory_space<hbm>> -> memref<1x104x128xi32, #tpu.memory_space<hbm>>
      %dma_start3A_109 = tpu.memref_squeeze %dma_start3A_108 : memref<1x104x128xi32, #tpu.memory_space<hbm>> -> memref<104x128xi32, #tpu.memory_space<hbm>>
      tpu.enqueue_dma source(%dma_start3A_109 : memref<104x128xi32, #tpu.memory_space<hbm>>) target(%arg22 : memref<104x128xi32, #tpu.memory_space<vmem>>) target_semaphore(%run_scoped3A : memref<!tpu.dma_semaphore, #tpu.memory_space<semaphore_mem>>)
      %dma_wait3A_110 = arith.constant 0 : i32
      %dma_wait3A_111 = arith.constant 0 : i32
      %dma_wait3A_112 = tpu.memref_slice %arg2[%add3A, %dma_wait3A_110, %dma_wait3A_111] : memref<32x104x128xi32, #tpu.memory_space<hbm>> -> memref<1x104x128xi32, #tpu.memory_space<hbm>>
      %dma_wait3A_113 = tpu.memref_squeeze %dma_wait3A_112 : memref<1x104x128xi32, #tpu.memory_space<hbm>> -> memref<104x128xi32, #tpu.memory_space<hbm>>
      %dma_wait3A_114 = arith.constant 0 : i32
      %dma_wait3A_115 = arith.constant 0 : i32
      %dma_wait3A_116 = tpu.memref_slice %arg2[%add3A, %dma_wait3A_114, %dma_wait3A_115] : memref<32x104x128xi32, #tpu.memory_space<hbm>> -> memref<1x104x128xi32, #tpu.memory_space<hbm>>
      %dma_wait3A_117 = tpu.memref_squeeze %dma_wait3A_116 : memref<1x104x128xi32, #tpu.memory_space<hbm>> -> memref<104x128xi32, #tpu.memory_space<hbm>>
      tpu.wait_dma2 semaphore(%run_scoped3A : memref<!tpu.dma_semaphore, #tpu.memory_space<semaphore_mem>>) src(%dma_wait3A_117 : memref<104x128xi32, #tpu.memory_space<hbm>>) dst(%arg22 : memref<104x128xi32, #tpu.memory_space<vmem>>)
      tpu.yield
    }) : () -> ()
    "tpu.region"() ({
      %run_scoped3A = tpu.sem_alloc : memref<!tpu.dma_semaphore, #tpu.memory_space<semaphore_mem>>
      tpu.enqueue_dma source(%arg19 : memref<16xf32, #tpu.memory_space<hbm>>) target(%arg24 : memref<16xf32, #tpu.memory_space<vmem>>) target_semaphore(%run_scoped3A : memref<!tpu.dma_semaphore, #tpu.memory_space<semaphore_mem>>)
      tpu.wait_dma2 semaphore(%run_scoped3A : memref<!tpu.dma_semaphore, #tpu.memory_space<semaphore_mem>>) src(%arg19 : memref<16xf32, #tpu.memory_space<hbm>>) dst(%arg24 : memref<16xf32, #tpu.memory_space<vmem>>)
      tpu.yield
    }) : () -> ()
    %barrier3A = arith.constant 0 : index
    tpu.barrier barrier_id(%barrier3A)
    %scan3A = arith.constant 0 : i32
    %scan3A_78 = arith.constant 0 : i32
    %scan3A_79 = arith.constant 0 : i32
    %scan3A_80 = arith.constant 26 : i32
    %scan3A_81 = arith.addi %scan3A_79, %scan3A_80 : i32
    %scan3A_82 = arith.constant 1 : i32
    scf.for %scan3A_103 = %scan3A_79 to %scan3A_81 step %scan3A_82  : i32 {
      %mul3A_104 = arith.constant 4 : i32
      %mul3A_105 = arith.muli %scan3A_103, %mul3A_104 : i32
      %add3A_106 = arith.constant 0 : i32
      %add3A_107 = arith.addi %mul3A_105, %add3A_106 : i32
      %mul3A_108 = arith.constant 128 : i32
      %mul3A_109 = arith.muli %add3A_107, %mul3A_108 : i32
      %dma_start3A = tpu.memref_slice %arg23[%mul3A_109] : memref<13312xf32, #tpu.memory_space<vmem>> -> memref<128xf32, #tpu.memory_space<vmem>>
      %dma_start3A_110 = arith.constant 0 : i32
      %dma_start3A_111 = tpu.memref_slice %arg22[%add3A_107, %dma_start3A_110] : memref<104x128xi32, #tpu.memory_space<vmem>> -> memref<1x128xi32, #tpu.memory_space<vmem>>
      %dma_start3A_112 = tpu.memref_squeeze %dma_start3A_111 : memref<1x128xi32, #tpu.memory_space<vmem>> -> memref<128xi32, #tpu.memory_space<vmem>>
      %dma_start3A_113 = arith.constant 0 : i32
      %dma_start3A_114 = tpu.memref_slice %arg21[%scan3A_78, %dma_start3A_113] : memref<1x1000000xf32, #tpu.memory_space<vmem_shared>> -> memref<1x1000000xf32, #tpu.memory_space<vmem_shared>>
      %dma_start3A_115 = tpu.memref_squeeze %dma_start3A_114 : memref<1x1000000xf32, #tpu.memory_space<vmem_shared>> -> memref<1000000xf32, #tpu.memory_space<vmem_shared>>
      %dma_start3A_116 = arith.constant 0 : i32
      %dma_start3A_117 = tpu.memref_slice %dma_start3A_115[%dma_start3A_116] : memref<1000000xf32, #tpu.memory_space<vmem_shared>> -> memref<1000000xf32, #tpu.memory_space<vmem_shared>>
      tpu.enqueue_indirect_dma source(%dma_start3A_117 : memref<1000000xf32, #tpu.memory_space<vmem_shared>>) target(%dma_start3A : memref<128xf32, #tpu.memory_space<vmem>>) offsets(%dma_start3A_112 : memref<128xi32, #tpu.memory_space<vmem>>) semaphore(%arg26 : memref<!tpu.dma_semaphore, #tpu.memory_space<semaphore_mem>>)
      %mul3A_118 = arith.constant 4 : i32
      %mul3A_119 = arith.muli %scan3A_103, %mul3A_118 : i32
      %add3A_120 = arith.constant 1 : i32
      %add3A_121 = arith.addi %mul3A_119, %add3A_120 : i32
      %mul3A_122 = arith.constant 128 : i32
      %mul3A_123 = arith.muli %add3A_121, %mul3A_122 : i32
      %dma_start3A_124 = tpu.memref_slice %arg23[%mul3A_123] : memref<13312xf32, #tpu.memory_space<vmem>> -> memref<128xf32, #tpu.memory_space<vmem>>
      %dma_start3A_125 = arith.constant 0 : i32
      %dma_start3A_126 = tpu.memref_slice %arg22[%add3A_121, %dma_start3A_125] : memref<104x128xi32, #tpu.memory_space<vmem>> -> memref<1x128xi32, #tpu.memory_space<vmem>>
      %dma_start3A_127 = tpu.memref_squeeze %dma_start3A_126 : memref<1x128xi32, #tpu.memory_space<vmem>> -> memref<128xi32, #tpu.memory_space<vmem>>
      %dma_start3A_128 = arith.constant 0 : i32
      %dma_start3A_129 = tpu.memref_slice %arg21[%scan3A_78, %dma_start3A_128] : memref<1x1000000xf32, #tpu.memory_space<vmem_shared>> -> memref<1x1000000xf32, #tpu.memory_space<vmem_shared>>
      %dma_start3A_130 = tpu.memref_squeeze %dma_start3A_129 : memref<1x1000000xf32, #tpu.memory_space<vmem_shared>> -> memref<1000000xf32, #tpu.memory_space<vmem_shared>>
      %dma_start3A_131 = arith.constant 0 : i32
      %dma_start3A_132 = tpu.memref_slice %dma_start3A_130[%dma_start3A_131] : memref<1000000xf32, #tpu.memory_space<vmem_shared>> -> memref<1000000xf32, #tpu.memory_space<vmem_shared>>
      tpu.enqueue_indirect_dma source(%dma_start3A_132 : memref<1000000xf32, #tpu.memory_space<vmem_shared>>) target(%dma_start3A_124 : memref<128xf32, #tpu.memory_space<vmem>>) offsets(%dma_start3A_127 : memref<128xi32, #tpu.memory_space<vmem>>) semaphore(%arg26 : memref<!tpu.dma_semaphore, #tpu.memory_space<semaphore_mem>>)
      %mul3A_133 = arith.constant 4 : i32
      %mul3A_134 = arith.muli %scan3A_103, %mul3A_133 : i32
      %add3A_135 = arith.constant 2 : i32
      %add3A_136 = arith.addi %mul3A_134, %add3A_135 : i32
      %mul3A_137 = arith.constant 128 : i32
      %mul3A_138 = arith.muli %add3A_136, %mul3A_137 : i32
      %dma_start3A_139 = tpu.memref_slice %arg23[%mul3A_138] : memref<13312xf32, #tpu.memory_space<vmem>> -> memref<128xf32, #tpu.memory_space<vmem>>
      %dma_start3A_140 = arith.constant 0 : i32
      %dma_start3A_141 = tpu.memref_slice %arg22[%add3A_136, %dma_start3A_140] : memref<104x128xi32, #tpu.memory_space<vmem>> -> memref<1x128xi32, #tpu.memory_space<vmem>>
      %dma_start3A_142 = tpu.memref_squeeze %dma_start3A_141 : memref<1x128xi32, #tpu.memory_space<vmem>> -> memref<128xi32, #tpu.memory_space<vmem>>
      %dma_start3A_143 = arith.constant 0 : i32
      %dma_start3A_144 = tpu.memref_slice %arg21[%scan3A_78, %dma_start3A_143] : memref<1x1000000xf32, #tpu.memory_space<vmem_shared>> -> memref<1x1000000xf32, #tpu.memory_space<vmem_shared>>
      %dma_start3A_145 = tpu.memref_squeeze %dma_start3A_144 : memref<1x1000000xf32, #tpu.memory_space<vmem_shared>> -> memref<1000000xf32, #tpu.memory_space<vmem_shared>>
      %dma_start3A_146 = arith.constant 0 : i32
      %dma_start3A_147 = tpu.memref_slice %dma_start3A_145[%dma_start3A_146] : memref<1000000xf32, #tpu.memory_space<vmem_shared>> -> memref<1000000xf32, #tpu.memory_space<vmem_shared>>
      tpu.enqueue_indirect_dma source(%dma_start3A_147 : memref<1000000xf32, #tpu.memory_space<vmem_shared>>) target(%dma_start3A_139 : memref<128xf32, #tpu.memory_space<vmem>>) offsets(%dma_start3A_142 : memref<128xi32, #tpu.memory_space<vmem>>) semaphore(%arg26 : memref<!tpu.dma_semaphore, #tpu.memory_space<semaphore_mem>>)
      %mul3A_148 = arith.constant 4 : i32
      %mul3A_149 = arith.muli %scan3A_103, %mul3A_148 : i32
      %add3A_150 = arith.constant 3 : i32
      %add3A_151 = arith.addi %mul3A_149, %add3A_150 : i32
      %mul3A_152 = arith.constant 128 : i32
      %mul3A_153 = arith.muli %add3A_151, %mul3A_152 : i32
      %dma_start3A_154 = tpu.memref_slice %arg23[%mul3A_153] : memref<13312xf32, #tpu.memory_space<vmem>> -> memref<128xf32, #tpu.memory_space<vmem>>
      %dma_start3A_155 = arith.constant 0 : i32
      %dma_start3A_156 = tpu.memref_slice %arg22[%add3A_151, %dma_start3A_155] : memref<104x128xi32, #tpu.memory_space<vmem>> -> memref<1x128xi32, #tpu.memory_space<vmem>>
      %dma_start3A_157 = tpu.memref_squeeze %dma_start3A_156 : memref<1x128xi32, #tpu.memory_space<vmem>> -> memref<128xi32, #tpu.memory_space<vmem>>
      %dma_start3A_158 = arith.constant 0 : i32
      %dma_start3A_159 = tpu.memref_slice %arg21[%scan3A_78, %dma_start3A_158] : memref<1x1000000xf32, #tpu.memory_space<vmem_shared>> -> memref<1x1000000xf32, #tpu.memory_space<vmem_shared>>
      %dma_start3A_160 = tpu.memref_squeeze %dma_start3A_159 : memref<1x1000000xf32, #tpu.memory_space<vmem_shared>> -> memref<1000000xf32, #tpu.memory_space<vmem_shared>>
      %dma_start3A_161 = arith.constant 0 : i32
      %dma_start3A_162 = tpu.memref_slice %dma_start3A_160[%dma_start3A_161] : memref<1000000xf32, #tpu.memory_space<vmem_shared>> -> memref<1000000xf32, #tpu.memory_space<vmem_shared>>
      tpu.enqueue_indirect_dma source(%dma_start3A_162 : memref<1000000xf32, #tpu.memory_space<vmem_shared>>) target(%dma_start3A_154 : memref<128xf32, #tpu.memory_space<vmem>>) offsets(%dma_start3A_157 : memref<128xi32, #tpu.memory_space<vmem>>) semaphore(%arg26 : memref<!tpu.dma_semaphore, #tpu.memory_space<semaphore_mem>>)
    }
    %scan3A_83 = arith.constant 26 : i32
    %dma_wait3A = arith.constant 0 : i32
    %dma_wait3A_84 = arith.constant 0 : i32
    %dma_wait3A_85 = tpu.memref_slice %arg21[%dma_wait3A, %dma_wait3A_84] : memref<1x1000000xf32, #tpu.memory_space<vmem_shared>> -> memref<1x1000000xf32, #tpu.memory_space<vmem_shared>>
    %dma_wait3A_86 = tpu.memref_squeeze %dma_wait3A_85 : memref<1x1000000xf32, #tpu.memory_space<vmem_shared>> -> memref<1000000xf32, #tpu.memory_space<vmem_shared>>
    %dma_wait3A_87 = arith.constant 0 : i32
    %dma_wait3A_88 = tpu.memref_slice %dma_wait3A_86[%dma_wait3A_87] : memref<1000000xf32, #tpu.memory_space<vmem_shared>> -> memref<13312xf32, #tpu.memory_space<vmem_shared>>
    %dma_wait3A_89 = arith.constant 0 : i32
    %dma_wait3A_90 = tpu.memref_slice %arg21[%dma_wait3A, %dma_wait3A_89] : memref<1x1000000xf32, #tpu.memory_space<vmem_shared>> -> memref<1x1000000xf32, #tpu.memory_space<vmem_shared>>
    %dma_wait3A_91 = tpu.memref_squeeze %dma_wait3A_90 : memref<1x1000000xf32, #tpu.memory_space<vmem_shared>> -> memref<1000000xf32, #tpu.memory_space<vmem_shared>>
    %dma_wait3A_92 = arith.constant 0 : i32
    %dma_wait3A_93 = tpu.memref_slice %dma_wait3A_91[%dma_wait3A_92] : memref<1000000xf32, #tpu.memory_space<vmem_shared>> -> memref<13312xf32, #tpu.memory_space<vmem_shared>>
    tpu.wait_dma2 semaphore(%arg26 : memref<!tpu.dma_semaphore, #tpu.memory_space<semaphore_mem>>) src(%dma_wait3A_93 : memref<13312xf32, #tpu.memory_space<vmem_shared>>) dst(%arg23 : memref<13312xf32, #tpu.memory_space<vmem>>)
    %get3A = arith.constant 0 : index
    %get3A_94 = tpu.vector_load %arg24[%get3A] {strides = array<i32>} : memref<16xf32, #tpu.memory_space<vmem>>, vector<16xf32>,
    %scan3A_95 = arith.constant 0 : i32
    %scan3A_96 = arith.constant 0 : i32
    %scan3A_97 = arith.constant 32 : i32
    %scan3A_98 = arith.addi %scan3A_96, %scan3A_97 : i32
    %scan3A_99 = arith.constant 1 : i32
    scf.for %scan3A_103 = %scan3A_96 to %scan3A_98 step %scan3A_99  : i32 {
      %mul3A_104 = arith.constant 16 : i32
      %mul3A_105 = arith.muli %scan3A_103, %mul3A_104 : i32
      %add3A_106 = arith.constant 0 : i32
      %add3A_107 = arith.addi %add3A_106, %mul3A_105 : i32
      %get3A_108 = arith.index_cast %add3A_107 : i32 to index
      %get3A_109 = tpu.vector_load %arg23[%get3A_108] {strides = array<i32>} : memref<13312xf32, #tpu.memory_space<vmem>>, vector<16xf32>,
      %add3A_110 = arith.addf %get3A_94, %get3A_109 : vector<16xf32>
      %add3A_111 = arith.constant 512 : i32
      %add3A_112 = arith.addi %add3A_111, %mul3A_105 : i32
      %get3A_113 = arith.index_cast %add3A_112 : i32 to index
      %get3A_114 = tpu.vector_load %arg23[%get3A_113] {strides = array<i32>} : memref<13312xf32, #tpu.memory_space<vmem>>, vector<16xf32>,
      %add3A_115 = arith.addf %add3A_110, %get3A_114 : vector<16xf32>
      %add3A_116 = arith.constant 1024 : i32
      %add3A_117 = arith.addi %add3A_116, %mul3A_105 : i32
      %get3A_118 = arith.index_cast %add3A_117 : i32 to index
      %get3A_119 = tpu.vector_load %arg23[%get3A_118] {strides = array<i32>} : memref<13312xf32, #tpu.memory_space<vmem>>, vector<16xf32>,
      %add3A_120 = arith.addf %add3A_115, %get3A_119 : vector<16xf32>
      %add3A_121 = arith.constant 1536 : i32
      %add3A_122 = arith.addi %add3A_121, %mul3A_105 : i32
      %get3A_123 = arith.index_cast %add3A_122 : i32 to index
      %get3A_124 = tpu.vector_load %arg23[%get3A_123] {strides = array<i32>} : memref<13312xf32, #tpu.memory_space<vmem>>, vector<16xf32>,
      %add3A_125 = arith.addf %add3A_120, %get3A_124 : vector<16xf32>
      %add3A_126 = arith.constant 2048 : i32
      %add3A_127 = arith.addi %add3A_126, %mul3A_105 : i32
      %get3A_128 = arith.index_cast %add3A_127 : i32 to index
      %get3A_129 = tpu.vector_load %arg23[%get3A_128] {strides = array<i32>} : memref<13312xf32, #tpu.memory_space<vmem>>, vector<16xf32>,
      %add3A_130 = arith.addf %add3A_125, %get3A_129 : vector<16xf32>
      %add3A_131 = arith.constant 2560 : i32
      %add3A_132 = arith.addi %add3A_131, %mul3A_105 : i32
      %get3A_133 = arith.index_cast %add3A_132 : i32 to index
      %get3A_134 = tpu.vector_load %arg23[%get3A_133] {strides = array<i32>} : memref<13312xf32, #tpu.memory_space<vmem>>, vector<16xf32>,
      %add3A_135 = arith.addf %add3A_130, %get3A_134 : vector<16xf32>
      %add3A_136 = arith.constant 3072 : i32
      %add3A_137 = arith.addi %add3A_136, %mul3A_105 : i32
      %get3A_138 = arith.index_cast %add3A_137 : i32 to index
      %get3A_139 = tpu.vector_load %arg23[%get3A_138] {strides = array<i32>} : memref<13312xf32, #tpu.memory_space<vmem>>, vector<16xf32>,
      %add3A_140 = arith.addf %add3A_135, %get3A_139 : vector<16xf32>
      %add3A_141 = arith.constant 3584 : i32
      %add3A_142 = arith.addi %add3A_141, %mul3A_105 : i32
      %get3A_143 = arith.index_cast %add3A_142 : i32 to index
      %get3A_144 = tpu.vector_load %arg23[%get3A_143] {strides = array<i32>} : memref<13312xf32, #tpu.memory_space<vmem>>, vector<16xf32>,
      %add3A_145 = arith.addf %add3A_140, %get3A_144 : vector<16xf32>
      %add3A_146 = arith.constant 4096 : i32
      %add3A_147 = arith.addi %add3A_146, %mul3A_105 : i32
      %get3A_148 = arith.index_cast %add3A_147 : i32 to index
      %get3A_149 = tpu.vector_load %arg23[%get3A_148] {strides = array<i32>} : memref<13312xf32, #tpu.memory_space<vmem>>, vector<16xf32>,
      %add3A_150 = arith.addf %add3A_145, %get3A_149 : vector<16xf32>
      %add3A_151 = arith.constant 4608 : i32
      %add3A_152 = arith.addi %add3A_151, %mul3A_105 : i32
      %get3A_153 = arith.index_cast %add3A_152 : i32 to index
      %get3A_154 = tpu.vector_load %arg23[%get3A_153] {strides = array<i32>} : memref<13312xf32, #tpu.memory_space<vmem>>, vector<16xf32>,
      %add3A_155 = arith.addf %add3A_150, %get3A_154 : vector<16xf32>
      %add3A_156 = arith.constant 5120 : i32
      %add3A_157 = arith.addi %add3A_156, %mul3A_105 : i32
      %get3A_158 = arith.index_cast %add3A_157 : i32 to index
      %get3A_159 = tpu.vector_load %arg23[%get3A_158] {strides = array<i32>} : memref<13312xf32, #tpu.memory_space<vmem>>, vector<16xf32>,
      %add3A_160 = arith.addf %add3A_155, %get3A_159 : vector<16xf32>
      %add3A_161 = arith.constant 5632 : i32
      %add3A_162 = arith.addi %add3A_161, %mul3A_105 : i32
      %get3A_163 = arith.index_cast %add3A_162 : i32 to index
      %get3A_164 = tpu.vector_load %arg23[%get3A_163] {strides = array<i32>} : memref<13312xf32, #tpu.memory_space<vmem>>, vector<16xf32>,
      %add3A_165 = arith.addf %add3A_160, %get3A_164 : vector<16xf32>
      %add3A_166 = arith.constant 6144 : i32
      %add3A_167 = arith.addi %add3A_166, %mul3A_105 : i32
      %get3A_168 = arith.index_cast %add3A_167 : i32 to index
      %get3A_169 = tpu.vector_load %arg23[%get3A_168] {strides = array<i32>} : memref<13312xf32, #tpu.memory_space<vmem>>, vector<16xf32>,
      %add3A_170 = arith.addf %add3A_165, %get3A_169 : vector<16xf32>
      %add3A_171 = arith.constant 6656 : i32
      %add3A_172 = arith.addi %add3A_171, %mul3A_105 : i32
      %get3A_173 = arith.index_cast %add3A_172 : i32 to index
      %get3A_174 = tpu.vector_load %arg23[%get3A_173] {strides = array<i32>} : memref<13312xf32, #tpu.memory_space<vmem>>, vector<16xf32>,
      %add3A_175 = arith.addf %add3A_170, %get3A_174 : vector<16xf32>
      %add3A_176 = arith.constant 7168 : i32
      %add3A_177 = arith.addi %add3A_176, %mul3A_105 : i32
      %get3A_178 = arith.index_cast %add3A_177 : i32 to index
      %get3A_179 = tpu.vector_load %arg23[%get3A_178] {strides = array<i32>} : memref<13312xf32, #tpu.memory_space<vmem>>, vector<16xf32>,
      %add3A_180 = arith.addf %add3A_175, %get3A_179 : vector<16xf32>
      %add3A_181 = arith.constant 7680 : i32
      %add3A_182 = arith.addi %add3A_181, %mul3A_105 : i32
      %get3A_183 = arith.index_cast %add3A_182 : i32 to index
      %get3A_184 = tpu.vector_load %arg23[%get3A_183] {strides = array<i32>} : memref<13312xf32, #tpu.memory_space<vmem>>, vector<16xf32>,
      %add3A_185 = arith.addf %add3A_180, %get3A_184 : vector<16xf32>
      %add3A_186 = arith.constant 8192 : i32
      %add3A_187 = arith.addi %add3A_186, %mul3A_105 : i32
      %get3A_188 = arith.index_cast %add3A_187 : i32 to index
      %get3A_189 = tpu.vector_load %arg23[%get3A_188] {strides = array<i32>} : memref<13312xf32, #tpu.memory_space<vmem>>, vector<16xf32>,
      %add3A_190 = arith.addf %add3A_185, %get3A_189 : vector<16xf32>
      %add3A_191 = arith.constant 8704 : i32
      %add3A_192 = arith.addi %add3A_191, %mul3A_105 : i32
      %get3A_193 = arith.index_cast %add3A_192 : i32 to index
      %get3A_194 = tpu.vector_load %arg23[%get3A_193] {strides = array<i32>} : memref<13312xf32, #tpu.memory_space<vmem>>, vector<16xf32>,
      %add3A_195 = arith.addf %add3A_190, %get3A_194 : vector<16xf32>
      %add3A_196 = arith.constant 9216 : i32
      %add3A_197 = arith.addi %add3A_196, %mul3A_105 : i32
      %get3A_198 = arith.index_cast %add3A_197 : i32 to index
      %get3A_199 = tpu.vector_load %arg23[%get3A_198] {strides = array<i32>} : memref<13312xf32, #tpu.memory_space<vmem>>, vector<16xf32>,
      %add3A_200 = arith.addf %add3A_195, %get3A_199 : vector<16xf32>
      %add3A_201 = arith.constant 9728 : i32
      %add3A_202 = arith.addi %add3A_201, %mul3A_105 : i32
      %get3A_203 = arith.index_cast %add3A_202 : i32 to index
      %get3A_204 = tpu.vector_load %arg23[%get3A_203] {strides = array<i32>} : memref<13312xf32, #tpu.memory_space<vmem>>, vector<16xf32>,
      %add3A_205 = arith.addf %add3A_200, %get3A_204 : vector<16xf32>
      %add3A_206 = arith.constant 10240 : i32
      %add3A_207 = arith.addi %add3A_206, %mul3A_105 : i32
      %get3A_208 = arith.index_cast %add3A_207 : i32 to index
      %get3A_209 = tpu.vector_load %arg23[%get3A_208] {strides = array<i32>} : memref<13312xf32, #tpu.memory_space<vmem>>, vector<16xf32>,
      %add3A_210 = arith.addf %add3A_205, %get3A_209 : vector<16xf32>
      %add3A_211 = arith.constant 10752 : i32
      %add3A_212 = arith.addi %add3A_211, %mul3A_105 : i32
      %get3A_213 = arith.index_cast %add3A_212 : i32 to index
      %get3A_214 = tpu.vector_load %arg23[%get3A_213] {strides = array<i32>} : memref<13312xf32, #tpu.memory_space<vmem>>, vector<16xf32>,
      %add3A_215 = arith.addf %add3A_210, %get3A_214 : vector<16xf32>
      %add3A_216 = arith.constant 11264 : i32
      %add3A_217 = arith.addi %add3A_216, %mul3A_105 : i32
      %get3A_218 = arith.index_cast %add3A_217 : i32 to index
      %get3A_219 = tpu.vector_load %arg23[%get3A_218] {strides = array<i32>} : memref<13312xf32, #tpu.memory_space<vmem>>, vector<16xf32>,
      %add3A_220 = arith.addf %add3A_215, %get3A_219 : vector<16xf32>
      %add3A_221 = arith.constant 11776 : i32
      %add3A_222 = arith.addi %add3A_221, %mul3A_105 : i32
      %get3A_223 = arith.index_cast %add3A_222 : i32 to index
      %get3A_224 = tpu.vector_load %arg23[%get3A_223] {strides = array<i32>} : memref<13312xf32, #tpu.memory_space<vmem>>, vector<16xf32>,
      %add3A_225 = arith.addf %add3A_220, %get3A_224 : vector<16xf32>
      %add3A_226 = arith.constant 12288 : i32
      %add3A_227 = arith.addi %add3A_226, %mul3A_105 : i32
      %get3A_228 = arith.index_cast %add3A_227 : i32 to index
      %get3A_229 = tpu.vector_load %arg23[%get3A_228] {strides = array<i32>} : memref<13312xf32, #tpu.memory_space<vmem>>, vector<16xf32>,
      %add3A_230 = arith.addf %add3A_225, %get3A_229 : vector<16xf32>
      %add3A_231 = arith.constant 12800 : i32
      %add3A_232 = arith.addi %add3A_231, %mul3A_105 : i32
      %get3A_233 = arith.index_cast %add3A_232 : i32 to index
      %get3A_234 = tpu.vector_load %arg23[%get3A_233] {strides = array<i32>} : memref<13312xf32, #tpu.memory_space<vmem>>, vector<16xf32>,
      %add3A_235 = arith.addf %add3A_230, %get3A_234 : vector<16xf32>
      %swap3A = arith.index_cast %mul3A_105 : i32 to index
      %swap3A_236 = tpu.vector_load %arg25[%swap3A] {strides = array<i32>} : memref<512xf32, #tpu.memory_space<vmem>>, vector<16xf32>,
      tpu.vector_store %arg25[%swap3A], %add3A_235 {strides = array<i32>} : memref<512xf32, #tpu.memory_space<vmem>>, vector<16xf32>,
    }
    %scan3A_100 = arith.constant 32 : i32
    %mul3A_101 = arith.constant 512 : i32
    %mul3A_102 = arith.muli %add3A, %mul3A_101 : i32
    "tpu.region"() ({
      %run_scoped3A = tpu.sem_alloc : memref<!tpu.dma_semaphore, #tpu.memory_space<semaphore_mem>>
      %dma_start3A = tpu.memref_slice %arg20[%mul3A_102] : memref<16384xf32, #tpu.memory_space<hbm>> -> memref<512xf32, #tpu.memory_space<hbm>>
      %dma_start3A_103 = tpu.memref_slice %arg20[%mul3A_102] : memref<16384xf32, #tpu.memory_space<hbm>> -> memref<512xf32, #tpu.memory_space<hbm>>
      tpu.enqueue_dma source(%arg25 : memref<512xf32, #tpu.memory_space<vmem>>) target(%dma_start3A_103 : memref<512xf32, #tpu.memory_space<hbm>>) target_semaphore(%run_scoped3A : memref<!tpu.dma_semaphore, #tpu.memory_space<semaphore_mem>>)
      %dma_wait3A_104 = tpu.memref_slice %arg20[%mul3A_102] : memref<16384xf32, #tpu.memory_space<hbm>> -> memref<512xf32, #tpu.memory_space<hbm>>
      %dma_wait3A_105 = tpu.memref_slice %arg20[%mul3A_102] : memref<16384xf32, #tpu.memory_space<hbm>> -> memref<512xf32, #tpu.memory_space<hbm>>
      tpu.wait_dma2 semaphore(%run_scoped3A : memref<!tpu.dma_semaphore, #tpu.memory_space<semaphore_mem>>) src(%arg25 : memref<512xf32, #tpu.memory_space<vmem>>) dst(%dma_wait3A_105 : memref<512xf32, #tpu.memory_space<hbm>>)
      tpu.yield
    }) : () -> ()
    return
  }
}

</mosaic_0001>

<sc_bundles>
// kernel: kernel.3.cloned.1.call-start
scs
__scs_entry_jumppad:
0x0: {  	(pc) =	sbr.rel $0x88, $3  }
0x1: {  	(tag) =	ssettag $0x0;
	lr =	simm.s32 $0x1  }
0x2: {  	[smem:$0x3F9E] =	sst lr;
	_ =	strace $0xD0000000  }
0x3: {  	_ = 	snop  }
0x4: {  	_ = 	snop  }
0x5: {  	_ = 	snop  }
0x6: {  	_ = 	snop  }
0x7: {  	_ = 	snop  }
__scs_overlays_trampoline_lowered:
0x8: {  	[smem:$0x3FAD] =	sst s0  }
0x9: {  	[smem:$0x3FAE] =	sst s1  }
0xa: {  	[smem:$0x3FAF] =	sst s2  }
0xb: {  	[smem:$0x3FB0] =	sst s3  }
0xc: {  	[smem:$0x3FB1] =	sst s4  }
0xd: {  	[smem:$0x3FB2] =	sst s5  }
0xe: {  	[smem:$0x3FB3] =	sst s6  }
0xf: {  	[smem:$0x3FB4] =	sst s7  }
0x10: {  	[smem:$0x3FB5] =	sst s8  }
0x11: {  	[smem:$0x3FB6] =	sst s9;
	s0 =	simm.s32 @!p0 $0x0  }
0x12: {  	s1 =	sld [smem:$0x3F9C];
	s0 =	simm.s32 @p0 $0x1  }
0x13: {  	[smem:$0x3FB7] =	sst s0;
	s0 =	simm.s32 @!p1 $0x0  }
0x14: {  	s2 =	sld [smem:$0x3F9B];
	s0 =	simm.s32 @p1 $0x1  }
0x15: {  	[smem:$0x3FB8] =	sst s0;
	s0 =	simm.s32 @!p2 $0x0  }
0x16: {  	s3 =	sld [smem:$0x3FDB];
	s0 =	simm.s32 @p2 $0x1  }
0x17: {  	s4 =	simm.s32 $0x1BF5;
	[smem:$0x3FBA] =	sst s0  }
0x18: {  	s0 =	sld [smem:$0x3F9D];
	_ =	swait.ge [sflag:s4], $0x0  }
0x19: {  	s7 =	sld [smem:$0x3F9E]  }
0x1a: {  	s8 =	sadd.s32 $0xFFFFE003, lr  }
0x1b: {  	s9 =	sadd.s32 $0xFFFFFEF7, lr;
	s5 =	simm.s32 $0xFFFFFFFF;
	p2 =	slt.u32 s8, $0xFFFFF086  }
0x1c: {  	p1 =	slt.u32 s9, $0xF7A;
	s5 =	simm.s32 @!p2 $0x0  }
0x1d: {  	s5 =	simm.s32 @p1 $0x1;
	p0 =	seq.s32 s7, s2  }
0x1e: {  	s7 =	smul.u32 @!p0 $0xF7A, s2;
	p2 =	seq.s32 @!p0 s5, $0x0  }
0x1f: {  	s9 =	smul.u32 $0xF7A, s1;
	s8 =	simm.s32 @!p0 $0x1BF5;
	p2 =	por !p2, p0  }
0x20: {  	[sflag:s8] =	ssyncset.s32 @!p0 $0xFFFFF086;
	s6 =	sadd.s32 @!p0 s3, s7;
	s7 =	simm.s32 @!p0 $0x108  }
0x21: {  	s3 =	sadd.s32 s3, s9;
	s6 =	sadd.s32 @!p0 $0x88, s6;
	s7 =	simm.s32 @p2 $0x1082  }
0x22: {  	[simem:s7], [sflag:s8] =	dma.local @!p0 [hbm:s6], $0xF7A  }
0x23: {  	s9 =	sor.u32 $0xD0000000, s2;
	s6 =	simm.s32 $0x108;
	_ =	swait.ge @!p0 [sflag:s8], $0x0  }
0x24: {  	s3 =	sadd.s32 $0x88, s3;
	s6 =	simm.s32 @!p1 $0x1082;
	[sflag:s4] =	ssyncset.s32 $0xFFFFF086  }
0x25: {  	[simem:s6], [sflag:s4] =	dma.local [hbm:s3], $0xF7A  }
0x26: {  	[smem:$0x3F9E] =	sst s1;
	(tag) =	ssettag s2;
	_ =	strace s9  }
0x27: {  	s1 =	sld [smem:$0x3FAE]  }
0x28: {  	s2 =	sld [smem:$0x3FAF]  }
0x29: {  	s4 =	sld [smem:$0x3FB1]  }
0x2a: {  	p0 =	seq.s32 s5, $0x0;
	s5 =	sld [smem:$0x3FB2]  }
0x2b: {  	s6 =	sld [smem:$0x3FB3]  }
0x2c: {  	s7 =	sld [smem:$0x3FB4]  }
0x2d: {  	s3 =	simm.s32 $0x108;
	s8 =	sld [smem:$0x3FB5]  }
0x2e: {  	s3 =	simm.s32 @!p0 $0x1082;
	s9 =	sld [smem:$0x3FB6]  }
0x2f: {  	lr =	sadd.s32 s0, s3;
	s0 =	sld [smem:$0x3FAD]  }
0x30: {  	s3 =	sld [smem:$0x3FB0]  }
0x31: {  	[smem:$0x3FB9] =	sst s10  }
0x32: {  	s10 =	sld [smem:$0x3FB7];
	_ =	sdelay $0x3  }
0x33: {  	p0 =	seq.s32 s10, $0x1;
	s10 =	sld [smem:$0x3FB9];
	_ =	sdelay $0x3  }
0x34: {  	[smem:$0x3FB9] =	sst s10  }
0x35: {  	s10 =	sld [smem:$0x3FB8];
	_ =	sdelay $0x3  }
0x36: {  	p1 =	seq.s32 s10, $0x1;
	s10 =	sld [smem:$0x3FB9];
	_ =	sdelay $0x3  }
0x37: {  	[smem:$0x3FB9] =	sst s10  }
0x38: {  	s10 =	sld [smem:$0x3FBA]  }
0x39: {  	_ = 	snop;
	(pc) =	sbr.ind lr, $3  }
0x3a: {  	_ = 	snop  }
0x3b: {  	_ = 	snop  }
0x3c: {  	p2 =	seq.s32 s10, $0x1;
	s10 =	sld [smem:$0x3FB9]  }
0x3d: {  	_ =	shalt  }
0x3e: {  	_ =	shalt  }
0x3f: {  	_ =	shalt  }
0x40: {  	_ =	shalt  }
0x41: {  	_ =	shalt  }
0x42: {  	_ =	shalt  }
0x43: {  	_ =	shalt  }
0x44: {  	_ =	shalt  }
0x45: {  	_ =	shalt  }
0x46: {  	_ =	shalt  }
0x47: {  	_ =	shalt  }
0x48: {  	_ =	shalt  }
0x49: {  	_ =	shalt  }
0x4a: {  	_ =	shalt  }
0x4b: {  	_ =	shalt  }
0x4c: {  	_ =	shalt  }
0x4d: {  	_ =	shalt  }
0x4e: {  	_ =	shalt  }
0x4f: {  	_ =	shalt  }
0x50: {  	_ =	shalt  }
0x51: {  	_ =	shalt  }
0x52: {  	_ =	shalt  }
0x53: {  	_ =	shalt  }
0x54: {  	_ =	shalt  }
0x55: {  	_ =	shalt  }
0x56: {  	_ =	shalt  }
0x57: {  	_ =	shalt  }
0x58: {  	_ =	shalt  }
0x59: {  	_ =	shalt  }
0x5a: {  	_ =	shalt  }
0x5b: {  	_ =	shalt  }
0x5c: {  	_ =	shalt  }
0x5d: {  	_ =	shalt  }
0x5e: {  	_ =	shalt  }
0x5f: {  	_ =	shalt  }
0x60: {  	_ =	shalt  }
0x61: {  	_ =	shalt  }
0x62: {  	_ =	shalt  }
0x63: {  	_ =	shalt  }
0x64: {  	_ =	shalt  }
0x65: {  	_ =	shalt  }
0x66: {  	_ =	shalt  }
0x67: {  	_ =	shalt  }
0x68: {  	_ =	shalt  }
0x69: {  	_ =	shalt  }
0x6a: {  	_ =	shalt  }
0x6b: {  	_ =	shalt  }
0x6c: {  	_ =	shalt  }
0x6d: {  	_ =	shalt  }
0x6e: {  	_ =	shalt  }
0x6f: {  	_ =	shalt  }
0x70: {  	_ =	shalt  }
0x71: {  	_ =	shalt  }
0x72: {  	_ =	shalt  }
0x73: {  	_ =	shalt  }
0x74: {  	_ =	shalt  }
0x75: {  	_ =	shalt  }
0x76: {  	_ =	shalt  }
0x77: {  	_ =	shalt  }
0x78: {  	_ =	shalt  }
0x79: {  	_ =	shalt  }
0x7a: {  	_ =	shalt  }
0x7b: {  	_ =	shalt  }
0x7c: {  	_ =	shalt  }
0x7d: {  	_ =	shalt  }
0x7e: {  	_ =	shalt  }
0x7f: {  	_ =	shalt  }
0x80: {  	_ =	shalt  }
0x81: {  	_ =	shalt  }
0x82: {  	_ =	shalt  }
0x83: {  	_ =	shalt  }
0x84: {  	_ =	shalt  }
0x85: {  	_ =	shalt  }
0x86: {  	_ =	shalt  }
0x87: {  	_ =	shalt  }
.Lfunc_end0:
.L_simem_size_0:
called_computation_lowered:
.L_overlay_start_0:
0x88: {  	s2 =	sld [smem:$0x3FD9]  }
0x89: {  	s3 =	sld [smem:$0x3FFE];
	_ =	sdelay $0x1  }
0x8a: {  	s1 =	srdreg.scid  }
0x8b: {  	s0 =	sand.u32 $0x1, s1  }
0x8c: {  	s17 =	sshll.u32 s0, $0xA;
	s2 =	sadd.s32 s3, s2  }
0x8d: {  	s2 =	sadd.s32 s2, s17  }
0x8e: {  	[smem:$0x3FC5] =	sst s2  }
0x8f: {  	_ = 	snop  }
0x90: {  	s2 =	sld [smem:$0x3FD0];
	(tm) =	ssettm $0x1  }
0x91: {  	s18 =	sld [smem:$0x3FFB];
	_ =	sdelay $0x3  }
0x92: {  	_ =	strace s18  }
0x93: {  	s3 =	sld [smem:$0x3FFC];
	_ =	sdelay $0x3  }
0x94: {  	_ =	strace s3  }
0x95: {  	s3 =	sld [smem:$0x3FFD];
	_ =	sdelay $0x3  }
0x96: {  	_ =	strace s3  }
0x97: {  	_ =	strace $0x8FFFFFFF  }
0x98: {  	s19 =	sld [smem:$0x3FDB];
	_ =	sdelay $0x1  }
0x99: {  	s4 =	simm.s32 $_scs_section_size  }
0x9a: {  	s5 =	simm.s32 $_size__tile_overlayer_lowered;
	s6 =	simm.s32 $_tile_overlayer_lowered  }
0x9b: {  	s22 =	simm.s32 $0x1BFF;
	s21 =	sshll.u32 s6, $0x1;
	s3 =	sadd.s32 s4, s19  }
0x9c: {  	s7 =	simm.s32 $0x0;
	s20 =	sshll.u32 s5, $0x1;
	s5 =	sadd.s32 s21, s3  }
0x9d: {  	[timem:s7], [sflag:s22] =	dma.local [hbm:s5], s20  }
0x9e: {  	_ =	swait.ge [sflag:s22], s20  }
0x9f: {  	s4 =	ssub.s32 $0x0, s20;
	[sflag:s22] =	ssyncset.done $0x0  }
0xa0: {  	[sflag:s22] =	ssyncadd.s32 s4;
	_ =	sdelay $0x1  }
0xa1: {  	s23 =	simm.s32 $0x1B8B  }
0xa2: {  	_ =	swait.ge [sflag:s23], $0x1  }
0xa3: {  	[sflag:s23] =	ssyncset.done $0x0  }
0xa4: {  	s25 =	simm.s32 $0x1B8E;
	s24 =	sld [smem:$0x3FFE];
	[sflag:s23] =	ssyncadd.s32 $0xFFFFFFFF  }
0xa5: {  	s26 =	simm.s32 $execute0_lowered;
	[smem:$0x3FD2] =	sst s25  }
0xa6: {  	s5 =	sshll.u32 s26, $0x1;
	_ =	strace $0x80000046;
	[dreg:$0x1] =	wrdreg $0xFFFFFFFF  }
0xa7: {  	s28 =	simm.s32 $_size_execute0_lowered;
	s3 =	sadd.s32 s3, s5;
	[dreg:$0x0] =	wrdreg $0x0  }
0xa8: {  	s5 =	sshll.u32 s28, $0x1;
	[dreg:$0x2] =	wrdreg s3  }
0xa9: {  	[dreg:$0x3] =	wrdreg s5  }
0xaa: {  	[dreg:$0x4] =	wrdreg $0xC0  }
0xab: {  	_ =	task [dreg:s7], $0x5FFFF  }
0xac: {  	[dreg:$0x1] =	wrdreg $0xFFFFFFFF  }
0xad: {  	[dreg:$0x0] =	wrdreg $0x60  }
0xae: {  	[dreg:$0x2] =	wrdreg s24  }
0xaf: {  	[dreg:$0x3] =	wrdreg s2  }
0xb0: {  	[dreg:$0x4] =	wrdreg $0x0  }
0xb1: {  	[dreg:$0x5] =	wrdreg $0x9  }
0xb2: {  	_ =	task.clear_ibuf [dreg:s7], $0x6FFFF;
	_ =	strace $0x90000046  }
0xb3: {  	s29 =	simm.s32 $0x9;
	_ =	strace $0x80000048  }
0xb4: {  	_ =	swait.ge [sflag:s29], $0x1  }
0xb5: {  	[sflag:s29] =	ssyncadd.s32 $0xFFFFFFFF  }
0xb6: {  	_ =	strace $0x90000048  }
0xb7: {  	_ =	sfence  }
0xb8: {  	s30 =	sld [smem:$0x0];
	_ =	sdelay $0x2  }
0xb9: {  	s31 =	sshll.u32 s1, $0xD;
	s1 =	sshrl.u32 s1, $0x2  }
0xba: {  	s3 =	sand.u32 $0x4000, s31;
	s1 =	sadd.s32 s1, s30  }
0xbb: {  	s0 =	sor.u32 s3, s0;
	s1 =	sshll.u32 s1, $0x11  }
0xbc: {  	s0 =	sor.u32 s1, s0  }
0xbd: {  	s0 =	sadd.s32 $0x8F2B, s0  }
0xbe: {  	[sflag:s0] =	ssyncadd.remote.s32 $0x1  }
0xbf: {  	_ =	sfence.sel $0xFFFF  }
0xc0: {  	[dreg:$0x0] =	wrdreg $0xFFFFFFFF;
	(pc) =	sbr.abs _section_cstart, $3  }
0xc1: {  	[dreg:$0x1] =	wrdreg $0xFFFFFFFF  }
0xc2: {  	_ =	task.clear_ibuf [dreg:s7], $0x2FFFF;
	_ =	strace $0x9FFFFFFF  }
0xc3: {  	(tm) =	ssettm $0x7FFFFFFF  }
tec
execute0_lowered:
.L_overlay_start_1:
0x0: {  	(tag) =	ssettag $0x1  }
0x1: {  	s22 =	stileid.u32  }
0x2: {  	p0 =	sgt.s32 s22, $0x3  }
0x3: {  	p1 =	sgt.s32 @p0 s22, $0x5  }
0x4: {  	s23 =	rddreg [dreg:$0x0];
	p2 =	por !p1, !p0  }
0x5: {  	s10 =	rddreg [dreg:$0x1];
	p2 =	seq.s32 @!p2 s22, $0x6  }
0x6: {  	s1 =	srdreg.scid;
	p3 =	por p1, !p0;
	p4 =	por @p0 !p2, !p1  }
0x7: {  	p5 =	sgt.s32 @!p0 s22, $0x1;
	p3 =	seq.s32 @!p3 s22, $0x4;
	s0 =	simm.s32 @!p4 $0x0  }
0x8: {  	p2 =	por @p0 p2, !p1;
	p6 =	por @p0 !p3, p1;
	s0 =	simm.s32 @p4 $0x1  }
0x9: {  	p1 =	por @p0 p3, p1;
	[smem:$0x7EB] =	sst s0;
	s0 =	simm.s32 @!p2 $0x0  }
0xa: {  	s0 =	simm.s32 @p2 $0x1;
	p2 =	por !p5, p0;
	s7 =	sld [smem:$0x7EB]  }
0xb: {  	[smem:$0x7EC] =	sst s0;
	s0 =	simm.s32 @!p1 $0x0;
	p2 =	seq.s32 @!p2 s22, $0x2  }
0xc: {  	p3 =	por p5, p0;
	s0 =	simm.s32 @p1 $0x1;
	p1 =	por @!p0 !p2, !p5  }
0xd: {  	p4 =	por @!p0 p2, !p5;
	p2 =	seq.s32 @!p3 s22, $0x0;
	s8 =	sld [smem:$0x7EC]  }
0xe: {  	p3 =	por @!p0 !p2, p5;
	p5 =	por @!p0 p2, p5;
	p2 =	seq.s32 s7, $0x1  }
0xf: {  	s5 =	simm.s32 $0x0;
	s1 =	sand.u32 $0x1, s1;
	p2 =	por p2, !p0  }
0x10: {  	s2 =	sshll.u32 s22, $0x1;
	[smem:$0x7ED] =	sst s0;
	s0 =	simm.s32 @!p2 $0x0  }
0x11: {  	[smem:$0x7FF] =	sst s5;
	s0 =	simm.s32 @p2 $0x1;
	p2 =	seq.s32 s8, $0x1  }
0x12: {  	s21 =	sadd.s32 $0xE000, s23;
	s9 =	sld [smem:$0x7ED];
	p2 =	por p2, !p0  }
0x13: {  	s24 =	sadd.s32 $0x1E000, s23;
	[smem:$0x7F3] =	sst s0;
	s0 =	simm.s32 @!p2 $0x0  }
0x14: {  	s26 =	sadd.s32 $0xC000, s23;
	s0 =	simm.s32 @p2 $0x1;
	p2 =	por p6, !p0  }
0x15: {  	p6 =	seq.s32 s9, $0x1;
	[smem:$0x7F4] =	sst s0;
	s0 =	simm.s32 @!p2 $0x0  }
0x16: {  	s28 =	sadd.s32 $0xA000, s23;
	p6 =	por p6, !p0;
	s0 =	simm.s32 @p2 $0x1  }
0x17: {  	s29 =	sadd.s32 $0x1A000, s23;
	[smem:$0x7F5] =	sst s0;
	s0 =	simm.s32 @!p6 $0x0  }
0x18: {  	s2 =	sor.u32 s1, s2;
	p1 =	por p1, p0;
	s0 =	simm.s32 @p6 $0x1  }
0x19: {  	p4 =	por p4, p0;
	[smem:$0x7F6] =	sst s0;
	s0 =	simm.s32 @!p1 $0x0  }
0x1a: {  	p2 =	sgt.s32 s22, $0xB;
	p6 =	por p3, p0;
	s0 =	simm.s32 @p1 $0x1  }
0x1b: {  	p1 =	sgt.s32 @p2 s22, $0xD;
	[smem:$0x7F7] =	sst s0;
	s0 =	simm.s32 @!p4 $0x0  }
0x1c: {  	p0 =	por p5, p0;
	p3 =	por !p1, !p2;
	s0 =	simm.s32 @p4 $0x1  }
0x1d: {  	p3 =	seq.s32 @!p3 s22, $0xE;
	[smem:$0x7F8] =	sst s0;
	s0 =	simm.s32 @!p0 $0x0  }
0x1e: {  	s1 =	ssub.s32 $0x2, s1;
	s0 =	simm.s32 @p0 $0x1;
	p0 =	por @p2 !p3, !p1  }
0x1f: {  	s4 =	smul.u32 $0x680, s2;
	[smem:$0x7F9] =	sst s0;
	s0 =	simm.s32 @!p0 $0x0  }
0x20: {  	p4 =	por p1, !p2;
	s0 =	simm.s32 @p0 $0x1;
	p0 =	por @p2 p3, !p1  }
0x21: {  	p4 =	seq.s32 @!p4 s22, $0xC;
	[smem:$0x7EE] =	sst s0;
	s0 =	simm.s32 @!p0 $0x0  }
0x22: {  	s0 =	simm.s32 @p0 $0x1;
	p0 =	por @p2 !p4, p1;
	s6 =	sld [smem:$0x7EE]  }
0x23: {  	s25 =	sshrl.u32 s1, $0x1;
	[smem:$0x7EF] =	sst s0;
	s0 =	simm.s32 @!p0 $0x0  }
0x24: {  	s0 =	simm.s32 @p0 $0x1;
	p0 =	por @p2 p4, p1;
	p1 =	sgt.s32 @!p2 s22, $0x9  }
0x25: {  	s2 =	sshll.u32 s2, $0x6;
	s17 =	sld [smem:$0x7EF];
	p3 =	por p1, p2  }
0x26: {  	[smem:$0x7F0] =	sst s0;
	s0 =	simm.s32 @!p0 $0x0;
	p3 =	seq.s32 @!p3 s22, $0x8  }
0x27: {  	s0 =	simm.s32 @p0 $0x1;
	p0 =	por !p1, p2;
	p4 =	por @!p2 !p3, p1  }
0x28: {  	s18 =	sld [smem:$0x7F0];
	p0 =	seq.s32 @!p0 s22, $0xA;
	s3 =	simm.s32 @!p4 $0x0  }
0x29: {  	p3 =	por @!p2 p3, p1;
	s3 =	simm.s32 @p4 $0x1;
	p4 =	seq.s32 s6, $0x1  }
0x2a: {  	p5 =	por @!p2 !p0, !p1;
	p0 =	por @!p2 p0, !p1;
	p1 =	por p4, !p2  }
0x2b: {  	[smem:$0x7F1] =	sst s0;
	p4 =	seq.s32 s17, $0x1;
	s6 =	simm.s32 @!p1 $0x0  }
0x2c: {  	s19 =	sld [smem:$0x7F1];
	s6 =	simm.s32 @p1 $0x1;
	p1 =	por p4, !p2  }
0x2d: {  	p4 =	seq.s32 s18, $0x1;
	[smem:$0x7FA] =	sst s6;
	s6 =	simm.s32 @!p1 $0x0  }
0x2e: {  	[smem:$0x7F2] =	sst s3;
	s6 =	simm.s32 @p1 $0x1;
	p1 =	por p4, !p2  }
0x2f: {  	s1 =	ssub.s32 s1, s25;
	[smem:$0x7FB] =	sst s6;
	s6 =	simm.s32 @!p1 $0x0  }
0x30: {  	s4 =	sadd.s32 s4, s23;
	s20 =	sld [smem:$0x7F2];
	s6 =	simm.s32 @p1 $0x1  }
0x31: {  	s8 =	sadd.s32 s10, s2;
	s9 =	sadd.s32 $0x20000, s4;
	[smem:$0x7FC] =	sst s6  }
0x32: {  	p5 =	por p5, p2;
	s3 =	rddreg [dreg:$0x2];
	_ =	strace $0x80000047  }
0x33: {  	p0 =	por p0, p2;
	s17 =	sadd.s32 $0x5B8D8, s3;
	s2 =	sld [smem:$0x7F3]  }
0x34: {  	p4 =	seq.s32 s19, $0x1;
	p1 =	seq.s32 s20, $0x1;
	[dreg:$0x4] =	wrdreg s21  }
0x35: {  	p4 =	por p4, !p2;
	p1 =	por p1, p2;
	s4 =	sld [smem:$0x7F4]  }
0x36: {  	p2 =	por p3, p2;
	[dreg:$0x5] =	wrdreg s24;
	p3 =	seq.s32 s2, $0x1  }
0x37: {  	s10 =	smax.u32 s1, $0x1;
	[dreg:$0x6] =	wrdreg s26;
	s1 =	sshrl.u32 @!p3 s17, $0x3  }
0x38: {  	s16 =	sadd.s32 $0x6ACF8, s3;
	p3 =	seq.s32 s4, $0x1;
	[dreg:$0x7] =	wrdreg s1  }
0x39: {  	s30 =	sadd.s32 $0x8000, s23;
	s1 =	sshrl.u32 @!p3 s16, $0x3;
	s16 =	sld [smem:$0x7F5]  }
0x3a: {  	s31 =	sadd.s32 $0x18000, s23;
	s5 =	sadd.s32 $0xE4E18, s3;
	s24 =	sld [smem:$0x7FA]  }
0x3b: {  	s7 =	sadd.s32 $0xC65D0, s3;
	s11 =	sadd.s32 $0xB71B0, s3;
	s17 =	sld [smem:$0x7F6]  }
0x3c: {  	s19 =	sadd.s32 $0x3D090, s3;
	s25 =	sld [smem:$0x7FB];
	p3 =	seq.s32 s16, $0x1  }
0x3d: {  	s12 =	sadd.s32 $0xA7D88, s3;
	[dreg:$0x8] =	wrdreg s1;
	s1 =	sshrl.u32 @!p3 s19, $0x3  }
0x3e: {  	s18 =	sadd.s32 $0x4C4B0, s3;
	p3 =	seq.s32 s17, $0x1;
	[dreg:$0x9] =	wrdreg s1  }
0x3f: {  	s13 =	sadd.s32 $0x98968, s3;
	s1 =	sshrl.u32 @!p3 s18, $0x3;
	s18 =	sld [smem:$0x7F7]  }
0x40: {  	s14 =	sadd.s32 $0x89540, s3;
	s15 =	sadd.s32 $0x7A120, s3;
	s26 =	sld [smem:$0x7FC]  }
0x41: {  	s0 =	sadd.s32 $0xF420, s3;
	s20 =	sadd.s32 $0x2DC68, s3;
	s19 =	sld [smem:$0x7F8]  }
0x42: {  	s21 =	sadd.s32 $0x1E848, s3;
	[dreg:$0xa] =	wrdreg s1;
	p3 =	seq.s32 s18, $0x1  }
0x43: {  	s6 =	sadd.s32 $0xD59F8, s3;
	s1 =	sshrl.u32 @!p3 s21, $0x3;
	s21 =	sld [smem:$0x7F9]  }
0x44: {  	s2 =	sadd.s32 $0x6000, s23;
	s4 =	sadd.s32 $0x14000, s23;
	s16 =	simm.s32 $0x1  }
0x45: {  	s17 =	simm.s32 $0x15C38;
	s18 =	simm.s32 $0x0;
	p3 =	seq.s32 s19, $0x1  }
0x46: {  	[dreg:$0xb] =	wrdreg s1;
	s1 =	sshrl.u32 @!p3 s20, $0x3;
	p3 =	seq.s32 s21, $0x1  }
0x47: {  	[dreg:$0xc] =	wrdreg s1;
	s0 =	sshrl.u32 @!p3 s0, $0x3;
	p3 =	seq.s32 s24, $0x1  }
0x48: {  	s1 =	sadd.s32 $0x4000, s23;
	[dreg:$0xd] =	wrdreg s0;
	s0 =	sshrl.u32 @!p3 s6, $0x3  }
0x49: {  	p3 =	seq.s32 s25, $0x1;
	s25 =	sshrl.u32 @!p2 s14, $0x3;
	s6 =	sadd.s32 $0x12000, s23  }
0x4a: {  	[dreg:$0xe] =	wrdreg s0;
	s0 =	sshrl.u32 @!p3 s5, $0x3;
	p3 =	seq.s32 s26, $0x1  }
0x4b: {  	s14 =	simm.s32 $0x15C28;
	[dreg:$0xf] =	wrdreg s0;
	s0 =	sshrl.u32 @!p3 s11, $0x3  }
0x4c: {  	s26 =	sadd.s32 $0x1C000, s23;
	[dreg:$0x10] =	wrdreg s0;
	s0 =	sshrl.u32 @!p4 s7, $0x3  }
0x4d: {  	s5 =	sadd.s32 $0x2000, s23;
	[dreg:$0x11] =	wrdreg s0;
	s0 =	sshrl.u32 @!p5 s13, $0x3  }
0x4e: {  	p3 =	sgt.s32 s22, $0x7;
	[dreg:$0x12] =	wrdreg s0;
	s0 =	sshrl.u32 @!p0 s12, $0x3  }
0x4f: {  	s11 =	sadd.s32 $0x2D000, s23;
	[dreg:$0x13] =	wrdreg s0;
	s0 =	sshrl.u32 @!p1 s15, $0x3  }
0x50: {  	s7 =	sadd.s32 $0x10000, s23;
	[dreg:$0x14] =	wrdreg s0;
	s0 =	simm.s32 @!p3 $0x0  }
0x51: {  	s13 =	simm.s32 $0x2;
	s12 =	simm.s32 $0xF428;
	s0 =	simm.s32 @p3 $0x1  }
0x52: {  	s15 =	simm.s32 $0x80;
	[smem:$0x7FD] =	sst s0;
	s0 =	sadd.s32 $0x16000, s23  }
.LBB2_1:
0x53: {  	s19 =	sld [smem:$0x7FD];
	_ =	sdelay $0x2  }
0x54: {  	p3 =	seq.s32 s19, $0x1  }
.Ltmp0:
0x55: {  	_ = 	snop;
	(pc) =	sbr.rel @p3 .LBB2_3-.Ltmp0, $1  }
0x56: {  	_ =	sdelay $0x3  }
0x57: {  	s19 =	sld [smem:$0x7F3];
	_ =	sdelay $0x2  }
0x58: {  	p3 =	seq.s32 s19, $0x1  }
0x59: {  	s20 =	rddreg [dreg:$0x7];
	s19 =	simm.s32 @!p3 $0x1D82  }
0x5a: {  	[spmem:s20], [sflag:s19] =	dma.local @!p3 [hbm:s30], $0x1E84  }
0x5b: {  	s19 =	simm.s32 @!p3 $0x2  }
0x5c: {  	_ =	swait.ge @!p3 [sflag:s19], $0x1E84  }
0x5d: {  	s24 =	sld [smem:$0x7F4];
	_ =	sdelay $0x1  }
0x5e: {  	[sflag:s19] =	ssyncset.done @!p3 $0x0  }
0x5f: {  	[sflag:s19] =	ssyncadd.s32 @!p3 $0xFFFFE17C;
	p3 =	seq.s32 s24, $0x1  }
0x60: {  	s20 =	rddreg [dreg:$0x8];
	s19 =	simm.s32 @!p3 $0x1DC2  }
0x61: {  	[spmem:s20], [sflag:s19] =	dma.local @!p3 [hbm:s31], $0x1E85  }
0x62: {  	s19 =	simm.s32 @!p3 $0x2  }
0x63: {  	_ =	swait.ge @!p3 [sflag:s19], $0x1E85  }
0x64: {  	s20 =	sld [smem:$0x7F5];
	_ =	sdelay $0x1  }
0x65: {  	[sflag:s19] =	ssyncset.done @!p3 $0x0  }
0x66: {  	[sflag:s19] =	ssyncadd.s32 @!p3 $0xFFFFE17B;
	p3 =	seq.s32 s20, $0x1  }
0x67: {  	s20 =	rddreg [dreg:$0x9];
	s19 =	simm.s32 @!p3 $0x1D02  }
0x68: {  	[spmem:s20], [sflag:s19] =	dma.local @!p3 [hbm:s28], $0x1E84  }
0x69: {  	s19 =	simm.s32 @!p3 $0x2  }
0x6a: {  	_ =	swait.ge @!p3 [sflag:s19], $0x1E84  }
0x6b: {  	s21 =	sld [smem:$0x7F6];
	_ =	sdelay $0x1  }
0x6c: {  	[sflag:s19] =	ssyncset.done @!p3 $0x0  }
0x6d: {  	[sflag:s19] =	ssyncadd.s32 @!p3 $0xFFFFE17C;
	p3 =	seq.s32 s21, $0x1  }
0x6e: {  	s20 =	rddreg [dreg:$0xa];
	s19 =	simm.s32 @!p3 $0x1D42  }
0x6f: {  	[spmem:s20], [sflag:s19] =	dma.local @!p3 [hbm:s29], $0x1E85  }
0x70: {  	s19 =	simm.s32 @!p3 $0x2  }
0x71: {  	_ =	swait.ge @!p3 [sflag:s19], $0x1E85  }
0x72: {  	s22 =	sld [smem:$0x7F7];
	_ =	sdelay $0x1  }
0x73: {  	[sflag:s19] =	ssyncset.done @!p3 $0x0  }
0x74: {  	s20 =	rddreg [dreg:$0x6];
	[sflag:s19] =	ssyncadd.s32 @!p3 $0xFFFFE17B;
	p3 =	seq.s32 s22, $0x1  }
0x75: {  	s21 =	rddreg [dreg:$0xb];
	s19 =	simm.s32 @!p3 $0x1C82  }
0x76: {  	[spmem:s21], [sflag:s19] =	dma.local @!p3 [hbm:s20], $0x1E84  }
0x77: {  	s19 =	simm.s32 @!p3 $0x2  }
0x78: {  	_ =	swait.ge @!p3 [sflag:s19], $0x1E84  }
0x79: {  	s23 =	sld [smem:$0x7F8];
	_ =	sdelay $0x1  }
0x7a: {  	[sflag:s19] =	ssyncset.done @!p3 $0x0  }
0x7b: {  	[sflag:s19] =	ssyncadd.s32 @!p3 $0xFFFFE17C;
	p3 =	seq.s32 s23, $0x1  }
0x7c: {  	s20 =	rddreg [dreg:$0xc];
	s19 =	simm.s32 @!p3 $0x1CC2  }
0x7d: {  	[spmem:s20], [sflag:s19] =	dma.local @!p3 [hbm:s26], $0x1E85  }
0x7e: {  	s19 =	simm.s32 @!p3 $0x2  }
0x7f: {  	_ =	swait.ge @!p3 [sflag:s19], $0x1E85  }
0x80: {  	s20 =	simm.s32 @!p6 $0x1C02;
	[sflag:s19] =	ssyncset.done @!p3 $0x0  }
0x81: {  	s21 =	rddreg [dreg:$0x4];
	[sflag:s19] =	ssyncadd.s32 @!p3 $0xFFFFE17B;
	s19 =	sshrl.u32 @!p6 s3, $0x3  }
0x82: {  	[spmem:s19], [sflag:s20] =	dma.local @!p6 [hbm:s21], $0x1E84  }
0x83: {  	s19 =	simm.s32 @!p6 $0x2  }
0x84: {  	_ =	swait.ge @!p6 [sflag:s19], $0x1E84  }
0x85: {  	s24 =	sld [smem:$0x7F9];
	_ =	sdelay $0x2  }
0x86: {  	[sflag:s19] =	ssyncset.done @!p6 $0x0;
	s20 =	rddreg [dreg:$0x5];
	p3 =	seq.s32 s24, $0x1  }
0x87: {  	s21 =	rddreg [dreg:$0xd];
	[sflag:s19] =	ssyncadd.s32 @!p6 $0xFFFFE17C;
	s19 =	simm.s32 @!p3 $0x1C42  }
0x88: {  	[spmem:s21], [sflag:s19] =	dma.local @!p3 [hbm:s20], $0x1E85  }
.Ltmp1:
0x89: {  	_ = 	snop;
	(pc) =	sbr.rel .LBB2_4-.Ltmp1, $4  }
0x8a: {  	s19 =	simm.s32 @!p3 $0x2  }
0x8b: {  	_ =	swait.ge @!p3 [sflag:s19], $0x1E85  }
0x8c: {  	[sflag:s19] =	ssyncset.done @!p3 $0x0  }
0x8d: {  	[sflag:s19] =	ssyncadd.s32 @!p3 $0xFFFFE17B  }
.LBB2_3:
0x8e: {  	s19 =	sld [smem:$0x7FA];
	_ =	sdelay $0x2  }
0x8f: {  	s20 =	rddreg [dreg:$0x0];
	p3 =	seq.s32 s19, $0x1  }
0x90: {  	s21 =	rddreg [dreg:$0xe];
	s19 =	simm.s32 @!p3 $0x1F82  }
0x91: {  	[spmem:s21], [sflag:s19] =	dma.local @!p3 [hbm:s20], $0x1E84  }
0x92: {  	s19 =	simm.s32 @!p3 $0x2  }
0x93: {  	_ =	swait.ge @!p3 [sflag:s19], $0x1E84  }
0x94: {  	s23 =	sld [smem:$0x7FB];
	_ =	sdelay $0x1  }
0x95: {  	[sflag:s19] =	ssyncset.done @!p3 $0x0  }
0x96: {  	[sflag:s19] =	ssyncadd.s32 @!p3 $0xFFFFE17C;
	p3 =	seq.s32 s23, $0x1  }
0x97: {  	s20 =	rddreg [dreg:$0xf];
	s19 =	simm.s32 @!p3 $0x1FC2  }
0x98: {  	[spmem:s20], [sflag:s19] =	dma.local @!p3 [hbm:s7], $0x1E85  }
0x99: {  	s19 =	simm.s32 @!p3 $0x2  }
0x9a: {  	_ =	swait.ge @!p3 [sflag:s19], $0x1E85  }
0x9b: {  	s24 =	sld [smem:$0x7FC];
	_ =	sdelay $0x1  }
0x9c: {  	[sflag:s19] =	ssyncset.done @!p3 $0x0  }
0x9d: {  	[sflag:s19] =	ssyncadd.s32 @!p3 $0xFFFFE17B;
	p3 =	seq.s32 s24, $0x1  }
0x9e: {  	s20 =	rddreg [dreg:$0x10];
	s19 =	simm.s32 @!p3 $0x1F02  }
0x9f: {  	[spmem:s20], [sflag:s19] =	dma.local @!p3 [hbm:s5], $0x1E84  }
0xa0: {  	s19 =	simm.s32 @!p3 $0x2  }
0xa1: {  	_ =	swait.ge @!p3 [sflag:s19], $0x1E84  }
0xa2: {  	[sflag:s19] =	ssyncset.done @!p3 $0x0  }
0xa3: {  	s20 =	rddreg [dreg:$0x11];
	[sflag:s19] =	ssyncadd.s32 @!p3 $0xFFFFE17C;
	s19 =	simm.s32 @!p4 $0x1F42  }
0xa4: {  	[spmem:s20], [sflag:s19] =	dma.local @!p4 [hbm:s6], $0x1E85  }
0xa5: {  	s19 =	simm.s32 @!p4 $0x2  }
0xa6: {  	_ =	swait.ge @!p4 [sflag:s19], $0x1E85  }
0xa7: {  	[sflag:s19] =	ssyncset.done @!p4 $0x0  }
0xa8: {  	s20 =	rddreg [dreg:$0x12];
	[sflag:s19] =	ssyncadd.s32 @!p4 $0xFFFFE17B;
	s19 =	simm.s32 @!p5 $0x1E82  }
0xa9: {  	[spmem:s20], [sflag:s19] =	dma.local @!p5 [hbm:s1], $0x1E84  }
0xaa: {  	s19 =	simm.s32 @!p5 $0x2  }
0xab: {  	_ =	swait.ge @!p5 [sflag:s19], $0x1E84  }
0xac: {  	[sflag:s19] =	ssyncset.done @!p5 $0x0  }
0xad: {  	s20 =	rddreg [dreg:$0x13];
	[sflag:s19] =	ssyncadd.s32 @!p5 $0xFFFFE17C;
	s19 =	simm.s32 @!p0 $0x1EC2  }
0xae: {  	[spmem:s20], [sflag:s19] =	dma.local @!p0 [hbm:s4], $0x1E85  }
0xaf: {  	s19 =	simm.s32 @!p0 $0x2  }
0xb0: {  	_ =	swait.ge @!p0 [sflag:s19], $0x1E85  }
0xb1: {  	[sflag:s19] =	ssyncset.done @!p0 $0x0  }
0xb2: {  	s20 =	rddreg [dreg:$0x14];
	[sflag:s19] =	ssyncadd.s32 @!p0 $0xFFFFE17B;
	s19 =	simm.s32 @!p1 $0x1E02  }
0xb3: {  	[spmem:s20], [sflag:s19] =	dma.local @!p1 [hbm:s2], $0x1E84  }
0xb4: {  	s19 =	simm.s32 @!p1 $0x2  }
0xb5: {  	_ =	swait.ge @!p1 [sflag:s19], $0x1E84  }
0xb6: {  	[sflag:s19] =	ssyncset.done @!p1 $0x0  }
0xb7: {  	[sflag:s19] =	ssyncadd.s32 @!p1 $0xFFFFE17C;
	s19 =	simm.s32 @!p2 $0x1E42  }
0xb8: {  	[spmem:s25], [sflag:s19] =	dma.local @!p2 [hbm:s0], $0x1E85  }
0xb9: {  	s19 =	simm.s32 @!p2 $0x2  }
0xba: {  	_ =	swait.ge @!p2 [sflag:s19], $0x1E85  }
0xbb: {  	[sflag:s19] =	ssyncset.done @!p2 $0x0  }
0xbc: {  	[sflag:s19] =	ssyncadd.s32 @!p2 $0xFFFFE17B  }
.LBB2_4:
0xbd: {  	s19 =	simm.s32 $0x0  }
0xbe: {  	[tilespmem:s12], [sflag:$0x2] =	stream.linear.gather [hbm4b:s9+s19], $0x3400, $0x38;
	[tilespmem:$0x15E38] =	vst v63  }
0xbf: {  	_ =	swait.ge [sflag:s13], $0x3400  }
0xc0: {  	[sflag:s13] =	ssyncset.done $0x0  }
0xc1: {  	[sflag:s13] =	ssyncadd.s32 $0xFFFFCC00  }
0xc2: {  	[tilespmem:s14], [sflag:$0x2] =	stream.linear.gather [hbm4b:s11+s19], $0x10, $0x38;
	[tilespmem:$0x15E38] =	vst v63  }
0xc3: {  	_ =	swait.ge [sflag:s13], $0x10  }
0xc4: {  	[sflag:s13] =	ssyncset.done $0x0  }
0xc5: {  	s24 =	simm.s32 $0x12828;
	s20 =	simm.s32 $0xF428;
	[sflag:s13] =	ssyncadd.s32 $0xFFFFFFF0  }
0xc6: {  	s21 =	simm.s32 $0x128A8;
	s22 =	simm.s32 $0xF4A8;
	[bflag:$0x0] =	sbarrier.arrive $0xFFFF  }
0xc7: {  	[tilespmem:s24], [sflag:$0x1] =	stream.indirect.gather [spmem:s3], $0x1, s20, s15, $0xb8;
	[tilespmem:$0x15E38] =	vst v63  }
0xc8: {  	s23 =	simm.s32 $0x12928;
	s19 =	simm.s32 $0x200;
	s24 =	simm.s32 $0xF528  }
0xc9: {  	[tilespmem:s21], [sflag:$0x1] =	stream.indirect.gather [spmem:s3], $0x1, s22, s15, $0xb8;
	[tilespmem:$0x15E38] =	vst v63  }
0xca: {  	s20 =	simm.s32 $0x1000;
	s21 =	simm.s32 $0x129A8;
	s22 =	simm.s32 $0xF5A8  }
0xcb: {  	[tilespmem:s23], [sflag:$0x1] =	stream.indirect.gather [spmem:s3], $0x1, s24, s15, $0xb8;
	[tilespmem:$0x15E38] =	vst v63  }
.LBB2_5:
0xcc: {  	[tilespmem:s21], [sflag:$0x1] =	stream.indirect.gather [spmem:s3], $0x1, s22, s15, $0xb8;
	[tilespmem:$0x15E38] =	vst v63  }
0xcd: {  	s22 =	smov.u32 s19;
	s19 =	smov.u32 s20;
	p3 =	sne.s32 s20, $0xC800  }
0xce: {  	s19 =	sshra.s32 s20, $0x2;
	s21 =	sadd.s32 $0x12828, s22;
	s23 =	sadd.s32 $0xF428, s22  }
0xcf: {  	[tilespmem:s21], [sflag:$0x1] =	stream.indirect.gather [spmem:s3], $0x1, s23, s15, $0xb8;
	[tilespmem:$0x15E38] =	vst v63  }
.Ltmp2:
0xd0: {  	s21 =	sadd.s32 $0x128A8, s22;
	s23 =	sadd.s32 $0xF4A8, s22;
	(pc) =	sbr.rel @p3 .LBB2_5-.Ltmp2, $4  }
0xd1: {  	[tilespmem:s21], [sflag:$0x1] =	stream.indirect.gather [spmem:s3], $0x1, s23, s15, $0xb8;
	[tilespmem:$0x15E38] =	vst v63  }
0xd2: {  	s24 =	sadd.s32 $0xF528, s22;
	s23 =	sadd.s32 $0x800, s20;
	s21 =	sadd.s32 $0x12928, s22  }
0xd3: {  	[tilespmem:s21], [sflag:$0x1] =	stream.indirect.gather [spmem:s3], $0x1, s24, s15, $0xb8;
	[tilespmem:$0x15E38] =	vst v63  }
0xd4: {  	s20 =	smov.u32 s23;
	s21 =	sadd.s32 $0x129A8, s22;
	s22 =	sadd.s32 $0xF5A8, s22  }
0xd5: {  	[tilespmem:s21], [sflag:$0x1] =	stream.indirect.gather [spmem:s3], $0x1, s22, s15, $0xb8;
	[tilespmem:$0x15E38] =	vst v63  }
0xd6: {  	s20 =	sadd.s32 $0x12828, s19;
	s22 =	sadd.s32 $0xF428, s19  }
0xd7: {  	[tilespmem:s20], [sflag:$0x1] =	stream.indirect.gather [spmem:s3], $0x1, s22, s15, $0xb8;
	[tilespmem:$0x15E38] =	vst v63  }
0xd8: {  	s23 =	sadd.s32 $0x128A8, s19;
	s24 =	sadd.s32 $0xF4A8, s19  }
0xd9: {  	[tilespmem:s23], [sflag:$0x1] =	stream.indirect.gather [spmem:s3], $0x1, s24, s15, $0xb8;
	[tilespmem:$0x15E38] =	vst v63  }
0xda: {  	s21 =	sadd.s32 $0x12928, s19;
	s22 =	sadd.s32 $0xF528, s19  }
0xdb: {  	[tilespmem:s21], [sflag:$0x1] =	stream.indirect.gather [spmem:s3], $0x1, s22, s15, $0xb8;
	[tilespmem:$0x15E38] =	vst v63  }
0xdc: {  	s23 =	sadd.s32 $0x129A8, s19;
	s24 =	sadd.s32 $0xF5A8, s19  }
0xdd: {  	[tilespmem:s23], [sflag:$0x1] =	stream.indirect.gather [spmem:s3], $0x1, s24, s15, $0xb8;
	[tilespmem:$0x15E38] =	vst v63  }
0xde: {  	_ =	swait.ge [sflag:s16], $0x3400  }
0xdf: {  	[sflag:s16] =	ssyncset.done $0x0  }
0xe0: {  	[sflag:s16] =	ssyncadd.s32 $0xFFFFCC00  }
0xe1: {  	s20 =	simm.s32 $0x0;
	v0 =	vld [tilespmem:$0x15C28]  }
0xe2: {  	v1 =	vld [tilespmem:s20+$0x12828];
	_ =	sdelay $0x1  }
0xe3: {  	v2 =	vld [tilespmem:s20+$0x12A28];
	_ =	sdelay $0x1  }
0xe4: {  	v3 =	vld [tilespmem:s20+$0x12C28]  }
0xe5: {  	v1 =	vadd.f32 v1, v0  }
0xe6: {  	v4 =	vld [tilespmem:s20+$0x12E28]  }
0xe7: {  	v1 =	vadd.f32 v2, v1  }
0xe8: {  	v2 =	vld [tilespmem:s20+$0x13028]  }
0xe9: {  	v1 =	vadd.f32 v3, v1  }
0xea: {  	v3 =	vld [tilespmem:s20+$0x13228]  }
0xeb: {  	v1 =	vadd.f32 v4, v1  }
0xec: {  	v4 =	vld [tilespmem:s20+$0x13428]  }
0xed: {  	v1 =	vadd.f32 v2, v1  }
0xee: {  	v2 =	vld [tilespmem:s20+$0x13628]  }
0xef: {  	v1 =	vadd.f32 v3, v1  }
0xf0: {  	v3 =	vld [tilespmem:s20+$0x13828]  }
0xf1: {  	v1 =	vadd.f32 v4, v1  }
0xf2: {  	v4 =	vld [tilespmem:s20+$0x13A28]  }
0xf3: {  	v1 =	vadd.f32 v2, v1  }
0xf4: {  	v2 =	vld [tilespmem:s20+$0x13C28]  }
0xf5: {  	v1 =	vadd.f32 v3, v1  }
0xf6: {  	v3 =	vld [tilespmem:s20+$0x13E28]  }
0xf7: {  	v1 =	vadd.f32 v4, v1  }
0xf8: {  	s19 =	simm.s32 $0x10;
	v4 =	vld [tilespmem:s20+$0x14028]  }
0xf9: {  	v5 =	vld [tilespmem:s19+$0x12828];
	v1 =	vadd.f32 v2, v1  }
0xfa: {  	v2 =	vld [tilespmem:s20+$0x14228]  }
0xfb: {  	v6 =	vld [tilespmem:s19+$0x12A28];
	v1 =	vadd.f32 v3, v1  }
0xfc: {  	v3 =	vld [tilespmem:s20+$0x14428]  }
0xfd: {  	v7 =	vld [tilespmem:s19+$0x12C28];
	v1 =	vadd.f32 v4, v1  }
0xfe: {  	v4 =	vld [tilespmem:s20+$0x14628]  }
0xff: {  	v8 =	vld [tilespmem:s19+$0x12E28];
	v5 =	vadd.f32 v5, v0;
	v1 =	vadd.f32 v2, v1  }
0x100: {  	v2 =	vld [tilespmem:s20+$0x14828]  }
0x101: {  	v5 =	vadd.f32 v6, v5;
	v6 =	vld [tilespmem:s19+$0x13028];
	v1 =	vadd.f32 v3, v1  }
0x102: {  	v3 =	vld [tilespmem:s20+$0x14A28]  }
0x103: {  	v5 =	vadd.f32 v7, v5;
	v7 =	vld [tilespmem:s19+$0x13228];
	v1 =	vadd.f32 v4, v1  }
0x104: {  	v4 =	vld [tilespmem:s20+$0x14C28]  }
0x105: {  	v5 =	vadd.f32 v8, v5;
	v8 =	vld [tilespmem:s19+$0x13428];
	v1 =	vadd.f32 v2, v1  }
0x106: {  	v2 =	vld [tilespmem:s20+$0x14E28]  }
0x107: {  	v5 =	vadd.f32 v6, v5;
	v6 =	vld [tilespmem:s19+$0x13628];
	v1 =	vadd.f32 v3, v1  }
0x108: {  	v3 =	vld [tilespmem:s20+$0x15028]  }
0x109: {  	v5 =	vadd.f32 v7, v5;
	v7 =	vld [tilespmem:s19+$0x13828];
	v1 =	vadd.f32 v4, v1  }
0x10a: {  	v4 =	vld [tilespmem:s20+$0x15228]  }
0x10b: {  	v5 =	vadd.f32 v8, v5;
	v8 =	vld [tilespmem:s19+$0x13A28];
	v1 =	vadd.f32 v2, v1  }
0x10c: {  	v2 =	vld [tilespmem:s20+$0x15428]  }
0x10d: {  	v9 =	vld [tilespmem:s20+$0x15628];
	v5 =	vadd.f32 v6, v5;
	v1 =	vadd.f32 v3, v1  }
0x10e: {  	v3 =	vld [tilespmem:s19+$0x13C28]  }
0x10f: {  	v5 =	vadd.f32 v7, v5;
	v6 =	vadd.f32 v4, v1;
	v1 =	vld [tilespmem:s20+$0x15828]  }
0x110: {  	v4 =	vld [tilespmem:s19+$0x13E28]  }
0x111: {  	v7 =	vadd.f32 v8, v5;
	v5 =	vld [tilespmem:s19+$0x14028];
	v8 =	vadd.f32 v2, v6  }
0x112: {  	v2 =	vld [tilespmem:s20+$0x15A28]  }
0x113: {  	s21 =	simm.s32 $0x20;
	s22 =	simm.s32 $0xC0;
	v6 =	vadd.f32 v3, v7;
	v3 =	vld [tilespmem:s19+$0x14228];
	v7 =	vadd.f32 v9, v8  }
.LBB2_7:
0x114: {  	p3 =	sne.s32 s22, $0x7C0;
	v8 =	vld [tilespmem:s21+$0x12828]  }
0x115: {  	v4 =	vadd.f32 v4, v6;
	v6 =	vld [tilespmem:s19+$0x14428];
	v1 =	vadd.f32 v1, v7  }
0x116: {  	v7 =	vld [tilespmem:s21+$0x12A28]  }
0x117: {  	v4 =	vadd.f32 v5, v4;
	v5 =	vld [tilespmem:s19+$0x14628];
	v1 =	vadd.f32 v2, v1  }
0x118: {  	v2 =	vld [tilespmem:s21+$0x12C28]  }
0x119: {  	v8 =	vadd.f32 v8, v0;
	v3 =	vadd.f32 v3, v4;
	v4 =	vld [tilespmem:s19+$0x14828];
	[tilespmem:s20+$0x15C38] =	vst v1;
	s20 =	smov.u32 s19;
	s19 =	smov.u32 s21  }
0x11a: {  	v1 =	vld [tilespmem:s19+$0x12E28]  }
0x11b: {  	v7 =	vadd.f32 v7, v8;
	v3 =	vadd.f32 v6, v3;
	v6 =	vld [tilespmem:s20+$0x14A28]  }
0x11c: {  	v8 =	vld [tilespmem:s19+$0x13028]  }
0x11d: {  	v2 =	vadd.f32 v2, v7;
	v3 =	vadd.f32 v5, v3;
	v5 =	vld [tilespmem:s20+$0x14C28]  }
0x11e: {  	v7 =	vld [tilespmem:s19+$0x13228]  }
0x11f: {  	v1 =	vadd.f32 v1, v2;
	v2 =	vadd.f32 v4, v3;
	v3 =	vld [tilespmem:s20+$0x14E28]  }
0x120: {  	v4 =	vld [tilespmem:s19+$0x13428]  }
0x121: {  	v1 =	vadd.f32 v8, v1;
	v2 =	vadd.f32 v6, v2;
	v6 =	vld [tilespmem:s20+$0x15028]  }
0x122: {  	v8 =	vld [tilespmem:s19+$0x13628]  }
0x123: {  	v1 =	vadd.f32 v7, v1;
	v2 =	vadd.f32 v5, v2;
	v5 =	vld [tilespmem:s20+$0x15228]  }
0x124: {  	v7 =	vld [tilespmem:s19+$0x13828]  }
0x125: {  	v1 =	vadd.f32 v4, v1;
	v2 =	vadd.f32 v3, v2;
	v3 =	vld [tilespmem:s20+$0x15428]  }
0x126: {  	v9 =	vld [tilespmem:s19+$0x13A28]  }
0x127: {  	v1 =	vadd.f32 v8, v1;
	v2 =	vadd.f32 v6, v2;
	v8 =	vld [tilespmem:s20+$0x15628]  }
0x128: {  	v6 =	vld [tilespmem:s19+$0x13C28]  }
.Ltmp3:
0x129: {  	v7 =	vadd.f32 v7, v1;
	v2 =	vadd.f32 v5, v2;
	v1 =	vld [tilespmem:s20+$0x15828];
	(pc) =	sbr.rel @p3 .LBB2_7-.Ltmp3, $4  }
0x12a: {  	v4 =	vld [tilespmem:s19+$0x13E28]  }
0x12b: {  	v7 =	vadd.f32 v9, v7;
	v9 =	vadd.f32 v3, v2;
	v2 =	vld [tilespmem:s20+$0x15A28]  }
0x12c: {  	v5 =	vld [tilespmem:s19+$0x14028]  }
0x12d: {  	s21 =	sshra.s32 s22, $0x2;
	s22 =	sadd.s32 $0x40, s22;
	v6 =	vadd.f32 v6, v7;
	v3 =	vld [tilespmem:s19+$0x14228];
	v7 =	vadd.f32 v8, v9  }
0x12e: {  	v8 =	vld [tilespmem:s21+$0x12828]  }
0x12f: {  	v9 =	vld [tilespmem:s19+$0x14428];
	v1 =	vadd.f32 v1, v7  }
0x130: {  	v31 =	vld [tilespmem:s21+$0x12A28]  }
0x131: {  	v10 =	vld [tilespmem:s19+$0x14628];
	v4 =	vadd.f32 v4, v6;
	v1 =	vadd.f32 v2, v1  }
0x132: {  	v32 =	vld [tilespmem:s21+$0x12C28]  }
0x133: {  	v33 =	vld [tilespmem:s19+$0x14828];
	v4 =	vadd.f32 v5, v4;
	v0 =	vadd.f32 v8, v0;
	[tilespmem:s20+$0x15C38] =	vst v1  }
0x134: {  	v1 =	vld [tilespmem:s21+$0x12E28]  }
0x135: {  	v3 =	vadd.f32 v3, v4;
	v0 =	vadd.f32 v31, v0  }
0x136: {  	v34 =	vld [tilespmem:s21+$0x13028]  }
0x137: {  	v35 =	vld [tilespmem:s19+$0x14A28];
	v3 =	vadd.f32 v9, v3;
	v0 =	vadd.f32 v32, v0  }
0x138: {  	v36 =	vld [tilespmem:s21+$0x13228]  }
0x139: {  	v37 =	vld [tilespmem:s19+$0x14C28];
	v3 =	vadd.f32 v10, v3;
	v0 =	vadd.f32 v1, v0  }
0x13a: {  	v38 =	vld [tilespmem:s21+$0x13428]  }
0x13b: {  	v39 =	vld [tilespmem:s19+$0x14E28];
	v3 =	vadd.f32 v33, v3;
	v0 =	vadd.f32 v34, v0  }
0x13c: {  	v40 =	vld [tilespmem:s21+$0x13628]  }
0x13d: {  	v41 =	vld [tilespmem:s19+$0x15028];
	v3 =	vadd.f32 v35, v3;
	v0 =	vadd.f32 v36, v0  }
0x13e: {  	v42 =	vld [tilespmem:s21+$0x13828]  }
0x13f: {  	v43 =	vld [tilespmem:s19+$0x15228];
	v3 =	vadd.f32 v37, v3;
	v0 =	vadd.f32 v38, v0  }
0x140: {  	v44 =	vld [tilespmem:s21+$0x13A28]  }
0x141: {  	v45 =	vld [tilespmem:s19+$0x15428];
	v3 =	vadd.f32 v39, v3;
	v0 =	vadd.f32 v40, v0  }
0x142: {  	v46 =	vld [tilespmem:s21+$0x13C28]  }
0x143: {  	v47 =	vld [tilespmem:s19+$0x15628];
	v3 =	vadd.f32 v41, v3;
	v0 =	vadd.f32 v42, v0  }
0x144: {  	v48 =	vld [tilespmem:s21+$0x13E28]  }
0x145: {  	v49 =	vld [tilespmem:s19+$0x15828];
	v3 =	vadd.f32 v43, v3;
	v0 =	vadd.f32 v44, v0  }
0x146: {  	v50 =	vld [tilespmem:s21+$0x14028]  }
0x147: {  	v51 =	vld [tilespmem:s19+$0x15A28];
	v3 =	vadd.f32 v45, v3;
	v0 =	vadd.f32 v46, v0  }
0x148: {  	v52 =	vld [tilespmem:s21+$0x14228]  }
0x149: {  	v3 =	vadd.f32 v47, v3;
	v0 =	vadd.f32 v48, v0  }
0x14a: {  	v53 =	vld [tilespmem:s21+$0x14428]  }
0x14b: {  	v3 =	vadd.f32 v49, v3;
	v0 =	vadd.f32 v50, v0  }
0x14c: {  	v54 =	vld [tilespmem:s21+$0x14628]  }
0x14d: {  	v3 =	vadd.f32 v51, v3;
	v0 =	vadd.f32 v52, v0  }
0x14e: {  	v55 =	vld [tilespmem:s21+$0x14828]  }
0x14f: {  	[tilespmem:s19+$0x15C38] =	vst v3;
	v0 =	vadd.f32 v53, v0  }
0x150: {  	v56 =	vld [tilespmem:s21+$0x14A28]  }
0x151: {  	v0 =	vadd.f32 v54, v0  }
0x152: {  	v57 =	vld [tilespmem:s21+$0x14C28]  }
0x153: {  	v0 =	vadd.f32 v55, v0  }
0x154: {  	v3 =	vld [tilespmem:s21+$0x14E28]  }
0x155: {  	v0 =	vadd.f32 v56, v0  }
0x156: {  	v58 =	vld [tilespmem:s21+$0x15028]  }
0x157: {  	v0 =	vadd.f32 v57, v0  }
0x158: {  	v59 =	vld [tilespmem:s21+$0x15228]  }
0x159: {  	v0 =	vadd.f32 v3, v0  }
0x15a: {  	v60 =	vld [tilespmem:s21+$0x15428]  }
0x15b: {  	v0 =	vadd.f32 v58, v0  }
0x15c: {  	v61 =	vld [tilespmem:s21+$0x15628]  }
0x15d: {  	v0 =	vadd.f32 v59, v0  }
0x15e: {  	v62 =	vld [tilespmem:s21+$0x15828]  }
0x15f: {  	v0 =	vadd.f32 v60, v0  }
0x160: {  	v63 =	vld [tilespmem:s21+$0x15A28]  }
0x161: {  	v0 =	vadd.f32 v61, v0;
	_ =	sdelay $0x1  }
0x162: {  	v0 =	vadd.f32 v62, v0;
	_ =	sdelay $0x1  }
0x163: {  	s18 =	sadd.s32 $0x1, s18;
	v0 =	vadd.f32 v63, v0  }
0x164: {  	p3 =	sne.s32 s18, s10  }
.Ltmp4:
0x165: {  	s24 =	simm.s32 $0x0;
	[tilespmem:s21+$0x15C38] =	vst v0;
	(pc) =	sbr.rel @p3 .LBB2_1-.Ltmp4, $4  }
0x166: {  	[hbm4b:s8+s24] =	stream.linear.scatter [tilespmem:s17], [sflag:$0x2], $0x200, $0x38;
	[tilespmem:$0x15E38] =	vst v63  }
0x167: {  	_ =	swait.ge [sflag:s13], $0x200  }
0x168: {  	[sflag:s13] =	ssyncset.done $0x0  }
0x169: {  	[sflag:s13] =	ssyncadd.s32 $0xFFFFFE00  }
0x16a: {  	_ =	sfence.sel $0x180000  }
0x16b: {  	[bflag:$0x0] =	sbarrier.arrive $0xFFFF  }
0x16c: {  	_ =	strace $0x90000047  }
0x16d: {  	s0 =	stileid.u32;
	[bflag:$0x2] =	sbarrier.arrive $0xFFFF  }
0x16e: {  	p0 =	sne.s32 s0, $0x0;
	s0 =	rddreg [dreg:$0x3]  }
0x16f: {  	s0 =	sadd.s32 @!p0 $0x100000, s0  }
0x170: {  	[sflag:s0] =	ssyncadd.tile.s32 @!p0 $0x1;
	_ =	shalt  }
.Lfunc_end2:
_tile_overlayer_lowered:
.L_overlay_start_2:
0x171: {  	(tag) =	ssettag $0x2  }
0x172: {  	s0 =	rddreg [dreg:$0x0];
	s2 =	stileid.u32  }
0x173: {  	s1 =	rddreg [dreg:$0x1];
	p0 =	sne.s32 s2, $0x0  }
0x174: {  	s3 =	rddreg [dreg:$0x2];
	[bflag:$0x3] =	sbarrier.arrive $0xFFFF;
	s2 =	simm.s32 @!p0 $0x1C02  }
0x175: {  	[timem:s3], [sflag:s2] =	dma.local @!p0 [hbm:s0], s1  }
0x176: {  	s0 =	simm.s32 @!p0 $0x2  }
0x177: {  	_ =	swait.ge @!p0 [sflag:s0], s1  }
0x178: {  	s1 =	ssub.s32 @!p0 $0x0, s1;
	[sflag:s0] =	ssyncset.done @!p0 $0x0  }
0x179: {  	[sflag:s0] =	ssyncadd.s32 @!p0 s1  }
0x17a: {  	[bflag:$0x3] =	sbarrier.arrive $0xFFFF  }
0x17b: {  	_ =	shalt  }

</sc_bundles>
